<compile_context>
chip_gen: v7x
topology: tpu7x:2x2x1
jax: 0.10.2.dev20260603
libtpu: 0.0.44.dev20260713+nightly
codegen_flags: <defaults>
</compile_context>

<pallas_src>
import functools

import jax
import jax.numpy as jnp
from jax import lax
from jax.experimental import pallas as pl
from jax.experimental.pallas import tpu as pltpu
from jax.experimental.pallas import tpu_sc as plsc

N = 10000
F = 128
E = 320000
HC = 128
FH = F // 2

NC = 2
NS = 16
NW = NC * NS
B = 128
CH = 160
E_PAD = NS * B * CH
N_PAD = 10240
RT = N_PAD // NS
DEG_W = 16
DCH = E_PAD // (NW * B)

_mesh = lambda: plsc.VectorSubcoreMesh(
    core_axis_name="c", subcore_axis_name="s", num_cores=NC, num_subcores=NS)


@functools.partial(
    pl.kernel,
    out_type=jax.ShapeDtypeStruct((NC * N_PAD, DEG_W), jnp.float32),
    mesh=_mesh(),
    scratch_types=[
        pltpu.VMEM((DCH * B,), jnp.int32),
        pltpu.VMEM((B, DEG_W), jnp.float32),
        pltpu.VMEM_SHARED((N_PAD, DEG_W), jnp.float32),
    ],
    compiler_params=pltpu.CompilerParams(use_tc_tiling_on_sc=False),
)
def _deg_kernel(ei_hbm, ones_hbm, zdeg_hbm, out_hbm, cidx, obuf, deg_sh):
    cid = lax.axis_index("c")
    sid = lax.axis_index("s")
    wid = sid * NC + cid
    ew = E // NW
    pltpu.sync_copy(zdeg_hbm.at[pl.ds(sid * RT, RT)],
                    deg_sh.at[pl.ds(sid * RT, RT)])
    for k in range(ew // 16, DCH * B // 16):
        cidx[pl.ds(16 * k, 16)] = jnp.full((16,), N, jnp.int32)
    pltpu.sync_copy(ei_hbm.at[pl.ds(E + wid * ew, ew)], cidx.at[pl.ds(0, ew)])
    pltpu.sync_copy(ones_hbm, obuf)
    plsc.subcore_barrier()

    def step(g, carry):
        pltpu.sync_copy(obuf, deg_sh.at[cidx.at[pl.ds(g * B, B)]], add=True)
        return carry

    lax.fori_loop(0, DCH, step, 0)
    plsc.subcore_barrier()
    pltpu.sync_copy(deg_sh.at[pl.ds(sid * RT, RT)],
                    out_hbm.at[pl.ds(cid * N_PAD + sid * RT, RT)])


@functools.partial(
    pl.kernel,
    out_type=jax.ShapeDtypeStruct((N_PAD, F), jnp.float32),
    mesh=_mesh(),
    scratch_types=[
        pltpu.VMEM((2, B), jnp.int32),
        pltpu.VMEM((2, B), jnp.int32),
        pltpu.VMEM((B, FH), jnp.float32),
        pltpu.VMEM((B, FH), jnp.float32),
        pltpu.VMEM_SHARED((N_PAD, FH), jnp.float32),
        pltpu.VMEM_SHARED((N_PAD, FH), jnp.float32),
        pltpu.SemaphoreType.DMA,
        pltpu.SemaphoreType.DMA,
    ],
    compiler_params=pltpu.CompilerParams(use_tc_tiling_on_sc=False),
)
def _prop_kernel(xp2_hbm, rc_hbm, zf_hbm, out_hbm,
                 idx_a, idx_b, rows_a, rows_b, xph_sh, acc_sh, sem_a, sem_b):
    cid = lax.axis_index("c")
    sid = lax.axis_index("s")
    base = sid * CH
    pltpu.sync_copy(xp2_hbm.at[pl.ds(sid * RT, RT), pl.ds(cid * FH, FH)],
                    xph_sh.at[pl.ds(sid * RT, RT)])
    pltpu.sync_copy(zf_hbm.at[pl.ds(sid * RT, RT)],
                    acc_sh.at[pl.ds(sid * RT, RT)])
    plsc.subcore_barrier()

    pltpu.sync_copy(rc_hbm.at[base], idx_a)
    pltpu.async_copy(xph_sh.at[idx_a.at[0]], rows_a, sem_a)

    def step(i, carry):
        g = base + 2 * i
        pltpu.sync_copy(rc_hbm.at[g + 1], idx_b)
        pltpu.async_copy(xph_sh.at[idx_b.at[0]], rows_b, sem_b)
        pltpu.make_async_copy(xph_sh.at[idx_a.at[0]], rows_a, sem_a).wait()
        pltpu.sync_copy(rows_a, acc_sh.at[idx_a.at[1]], add=True)

        @pl.when(i + 1 < CH // 2)
        def _():
            pltpu.sync_copy(rc_hbm.at[g + 2], idx_a)
            pltpu.async_copy(xph_sh.at[idx_a.at[0]], rows_a, sem_a)

        pltpu.make_async_copy(xph_sh.at[idx_b.at[0]], rows_b, sem_b).wait()
        pltpu.sync_copy(rows_b, acc_sh.at[idx_b.at[1]], add=True)
        return carry

    lax.fori_loop(0, CH // 2, step, 0)
    plsc.subcore_barrier()
    pltpu.sync_copy(acc_sh.at[pl.ds(sid * RT, RT)],
                    out_hbm.at[pl.ds(sid * RT, RT), pl.ds(cid * FH, FH)])


def _prep_body(deg_ref, x_ref, xp_ref):
    deg = deg_ref[:N, 0:1] + deg_ref[N_PAD:N_PAD + N, 0:1] + 2.0
    dinv = lax.rsqrt(deg)
    xp_ref[:N, :] = dinv * x_ref[...]
    xp_ref[N:, :] = jnp.zeros((N_PAD - N, F), jnp.float32)


def _prep_call(degp, x):
    return pl.pallas_call(
        _prep_body,
        out_shape=jax.ShapeDtypeStruct((N_PAD, F), jnp.float32),
    )(degp, x)


def _dense_body(acc_ref, deg_ref, x_ref, wz_ref, wlz_ref, bz_ref, blz_ref,
                wh_ref, wlh_ref, bh_ref, blh_ref, w2_ref, b2_ref, y_ref):
    deg = deg_ref[:N, 0:1] + deg_ref[N_PAD:N_PAD + N, 0:1] + 2.0
    dinv = lax.rsqrt(deg)
    s = acc_ref[:N, :]
    px = dinv * s + (2.0 * dinv * dinv) * x_ref[...]
    az = jnp.dot(wz_ref[...], wlz_ref[:HC, :], preferred_element_type=jnp.float32)
    ah = jnp.dot(wh_ref[...], wlh_ref[:HC, :], preferred_element_type=jnp.float32)
    cz = jnp.dot(bz_ref[...], wlz_ref[:HC, :], preferred_element_type=jnp.float32) + blz_ref[...]
    ch = jnp.dot(bh_ref[...], wlh_ref[:HC, :], preferred_element_type=jnp.float32) + blh_ref[...]
    z = jax.nn.sigmoid(jnp.dot(px, az, preferred_element_type=jnp.float32) + cz)
    ht = jnp.tanh(jnp.dot(px, ah, preferred_element_type=jnp.float32) + ch)
    y_ref[...] = (jnp.dot((1.0 - z) * ht, w2_ref[...],
                          preferred_element_type=jnp.float32) + b2_ref[...])


def _dense_call(accp, degp, x, Wz, Wlz, bz, blz, Wh, Wlh, bh, blh, W2, b2):
    return pl.pallas_call(
        _dense_body,
        out_shape=jax.ShapeDtypeStruct((N, 1), jnp.float32),
    )(accp, degp, x, Wz, Wlz, bz, blz, Wh, Wlh, bh, blh, W2, b2)


@jax.jit
def _run(x, edge_index, Wz, bz, Wlz, blz, Wh, bh, Wlh, blh, W2, b2):
    row = edge_index[0]
    col = edge_index[1]
    padv = jnp.full((E_PAD - E,), N, jnp.int32)
    rpad = jnp.concatenate([row, padv]).reshape(NS * CH, B)
    cpad = jnp.concatenate([col, padv]).reshape(NS * CH, B)
    rc = jnp.stack([rpad, cpad], axis=1)
    ones16 = jnp.ones((B, DEG_W), jnp.float32)
    zdeg = jnp.zeros((N_PAD, DEG_W), jnp.float32)
    zfeat = jnp.zeros((N_PAD, FH), jnp.float32)

    degp = _deg_kernel(edge_index.reshape(2 * E), ones16, zdeg)
    xp2 = _prep_call(degp, x)
    accp = _prop_kernel(xp2, rc, zfeat)
    return _dense_call(accp, degp, x, Wz, Wlz,
                       bz.reshape(1, HC), blz.reshape(1, HC),
                       Wh, Wlh, bh.reshape(1, HC), blh.reshape(1, HC),
                       W2, b2.reshape(1, 1))


def kernel(x, edge_index, Wz, bz, Wlz, blz, Wr, br, Wlr, blr, Wh, bh, Wlh,
           blh, W2, b2):
    return _run(x, edge_index, Wz, bz, Wlz, blz, Wh, bh, Wlh, blh, W2, b2)

# --- scband reference (transcript-rebuilt; emitter-appended) ---
"""Pipeline reference for scband-recurrent-gcn-56762287784218 (READ-ONLY COPY).

The authoritative reference and input builder live on the scoring server;
editing this copy changes nothing except your own understanding.
"""

import jax, jax.numpy as jnp
import numpy as np

N = 10000
E = 320000
F_IN = 128
HC = 128

def _glorot(k, shape):
    lim = (6.0 / (shape[0] + shape[1])) ** 0.5
    return jax.random.uniform(k, shape, minval=-lim, maxval=lim, dtype=jnp.float32)

def setup_inputs(seed: int = 0) -> dict:
    key = jax.random.key(seed)
    ks = jax.random.split(key, 18)
    x = jax.random.normal(ks[0], (N, F_IN), dtype=jnp.float32)
    edge_index = jax.random.randint(ks[1], (2, E), 0, N, dtype=jnp.int32)
    inp = {
        'x': x,
        'edge_index': edge_index,
        'Wz': _glorot(ks[2], (F_IN, HC)), 'bz': jnp.zeros((HC,), jnp.float32),
        'Wlz': _glorot(ks[3], (2 * HC, HC)), 'blz': jnp.zeros((HC,), jnp.float32),
        'Wr': _glorot(ks[4], (F_IN, HC)), 'br': jnp.zeros((HC,), jnp.float32),
        'Wlr': _glorot(ks[5], (2 * HC, HC)), 'blr': jnp.zeros((HC,), jnp.float32),
        'Wh': _glorot(ks[6], (F_IN, HC)), 'bh': jnp.zeros((HC,), jnp.float32),
        'Wlh': _glorot(ks[7], (2 * HC, HC)), 'blh': jnp.zeros((HC,), jnp.float32),
        'W2': _glorot(ks[8], (HC, 1)), 'b2': jnp.zeros((1,), jnp.float32),
    }
    return inp

def _gcn_conv(x, edge_index, W, b):
    # GCNConv with improved=True: A_hat = A + 2I, sym-normalized, linear first then propagate
    xw = x @ W
    row = edge_index[0]
    col = edge_index[1]
    loop = jnp.arange(N, dtype=edge_index.dtype)
    r = jnp.concatenate([row, loop])
    c = jnp.concatenate([col, loop])
    ew = jnp.concatenate([jnp.ones((E,), jnp.float32), 2.0 * jnp.ones((N,), jnp.float32)])
    deg = jnp.zeros((N,), jnp.float32).at[c].add(ew)
    dinv = jnp.where(deg > 0, jax.lax.rsqrt(jnp.maximum(deg, 1e-12)), 0.0)
    norm = dinv[r] * ew * dinv[c]
    out = jnp.zeros((N, W.shape[1]), jnp.float32).at[c].add(norm[:, None] * xw[r])
    return out + b

def reference(x, edge_index, Wz, bz, Wlz, blz, Wr, br, Wlr, blr, Wh, bh, Wlh, blh, W2, b2):
    # TGCN cell with H0 = zeros (single step), then linear2 head (relu output discarded in original fwd)
    H0 = jnp.zeros((x.shape[0], Wz.shape[1]), jnp.float32)
    Z = jax.nn.sigmoid(jnp.concatenate([_gcn_conv(x, edge_index, Wz, bz), H0], axis=1) @ Wlz + blz)
    R = jax.nn.sigmoid(jnp.concatenate([_gcn_conv(x, edge_index, Wr, br), H0], axis=1) @ Wlr + blr)
    Ht = jnp.tanh(jnp.concatenate([_gcn_conv(x, edge_index, Wh, bh), H0 * R], axis=1) @ Wlh + blh)
    Hn = Z * H0 + (1.0 - Z) * Ht
    y = Hn @ W2 + b2
    return y

if __name__ == "__main__":
    import jax
    _d = setup_inputs()
    print(jax.jit(kernel)(*tuple(_d.values())))

</pallas_src>

<mosaic_0001>
#map = affine_map<(d0, d1) -> (0)>
#map1 = affine_map<(d0, d1) -> (0, 0)>
module attributes {stable_mosaic.version = 14 : i64} {
  func.func @_deg_kernel(%arg0: i32, %arg1: i32, %arg2: memref<640000xi32, #tpu.memory_space<hbm>>, %arg3: memref<128x16xf32, #tpu.memory_space<hbm>>, %arg4: memref<10240x16xf32, #tpu.memory_space<hbm>>, %arg5: memref<20480x16xf32, #tpu.memory_space<hbm>>, %arg6: memref<10240xi32, #tpu.memory_space<vmem>>, %arg7: memref<128x16xf32, #tpu.memory_space<vmem>>, %arg8: memref<10240x16xf32, #tpu.memory_space<vmem_shared>>) attributes {dimension_semantics = [#tpu.dimension_semantics<core_parallel>, #tpu.dimension_semantics<subcore_parallel>], iteration_bounds = array<i64: 2, 16>, scalar_prefetch = 0 : i64, scratch_operands = 3 : i64, tpu.core_type = #tpu.core_type<sc_vector_subcore>, window_params = [{transform_indices = #map}, {transform_indices = #map1}, {transform_indices = #map1}, {transform_indices = #map1}]} {
    %mul3A = arith.constant 2 : i32
    %mul3A_0 = arith.muli %arg1, %mul3A : i32
    %add3A = arith.addi %mul3A_0, %arg0 : i32
    %mul3A_1 = arith.constant 640 : i32
    %mul3A_2 = arith.muli %arg1, %mul3A_1 : i32
    %mul3A_3 = arith.constant 640 : i32
    %mul3A_4 = arith.muli %arg1, %mul3A_3 : i32
    "tpu.region"() ({
      %run_scoped3A = tpu.sem_alloc : memref<!tpu.dma_semaphore, #tpu.memory_space<semaphore_mem>>
      %dma_start3A = arith.constant 0 : i32
      %dma_start3A_110 = tpu.memref_slice %arg8[%mul3A_4, %dma_start3A] : memref<10240x16xf32, #tpu.memory_space<vmem_shared>> -> memref<640x16xf32, #tpu.memory_space<vmem_shared>>
      %dma_start3A_111 = arith.constant 0 : i32
      %dma_start3A_112 = tpu.memref_slice %arg4[%mul3A_2, %dma_start3A_111] : memref<10240x16xf32, #tpu.memory_space<hbm>> -> memref<640x16xf32, #tpu.memory_space<hbm>>
      tpu.enqueue_dma source(%dma_start3A_112 : memref<640x16xf32, #tpu.memory_space<hbm>>) target(%dma_start3A_110 : memref<640x16xf32, #tpu.memory_space<vmem_shared>>) target_semaphore(%run_scoped3A : memref<!tpu.dma_semaphore, #tpu.memory_space<semaphore_mem>>)
      %dma_wait3A = arith.constant 0 : i32
      %dma_wait3A_113 = tpu.memref_slice %arg8[%mul3A_4, %dma_wait3A] : memref<10240x16xf32, #tpu.memory_space<vmem_shared>> -> memref<640x16xf32, #tpu.memory_space<vmem_shared>>
      %dma_wait3A_114 = arith.constant 0 : i32
      %dma_wait3A_115 = tpu.memref_slice %arg4[%mul3A_2, %dma_wait3A_114] : memref<10240x16xf32, #tpu.memory_space<hbm>> -> memref<640x16xf32, #tpu.memory_space<hbm>>
      tpu.wait_dma2 semaphore(%run_scoped3A : memref<!tpu.dma_semaphore, #tpu.memory_space<semaphore_mem>>) src(%dma_wait3A_115 : memref<640x16xf32, #tpu.memory_space<hbm>>) dst(%dma_wait3A_113 : memref<640x16xf32, #tpu.memory_space<vmem_shared>>)
      tpu.yield
    }) : () -> ()
    %broadcast_in_dim3A = arith.constant 10000 : i32
    %broadcast_in_dim3A_5 = vector.broadcast %broadcast_in_dim3A : i32 to vector<16xi32>
    %swap3A = arith.constant 10000 : index
    %swap3A_6 = tpu.vector_load %arg6[%swap3A] {strides = array<i32>} : memref<10240xi32, #tpu.memory_space<vmem>>, vector<16xi32>,
    %swap3A_7 = vector.shape_cast %swap3A_6 : vector<16xi32> to vector<16xi32>
    %swap3A_8 = vector.shape_cast %broadcast_in_dim3A_5 : vector<16xi32> to vector<16xi32>
    tpu.vector_store %arg6[%swap3A], %swap3A_8 {strides = array<i32>} : memref<10240xi32, #tpu.memory_space<vmem>>, vector<16xi32>,
    %broadcast_in_dim3A_9 = arith.constant 10000 : i32
    %broadcast_in_dim3A_10 = vector.broadcast %broadcast_in_dim3A_9 : i32 to vector<16xi32>
    %swap3A_11 = arith.constant 10016 : index
    %swap3A_12 = tpu.vector_load %arg6[%swap3A_11] {strides = array<i32>} : memref<10240xi32, #tpu.memory_space<vmem>>, vector<16xi32>,
    %swap3A_13 = vector.shape_cast %swap3A_12 : vector<16xi32> to vector<16xi32>
    %swap3A_14 = vector.shape_cast %broadcast_in_dim3A_10 : vector<16xi32> to vector<16xi32>
    tpu.vector_store %arg6[%swap3A_11], %swap3A_14 {strides = array<i32>} : memref<10240xi32, #tpu.memory_space<vmem>>, vector<16xi32>,
    %broadcast_in_dim3A_15 = arith.constant 10000 : i32
    %broadcast_in_dim3A_16 = vector.broadcast %broadcast_in_dim3A_15 : i32 to vector<16xi32>
    %swap3A_17 = arith.constant 10032 : index
    %swap3A_18 = tpu.vector_load %arg6[%swap3A_17] {strides = array<i32>} : memref<10240xi32, #tpu.memory_space<vmem>>, vector<16xi32>,
    %swap3A_19 = vector.shape_cast %swap3A_18 : vector<16xi32> to vector<16xi32>
    %swap3A_20 = vector.shape_cast %broadcast_in_dim3A_16 : vector<16xi32> to vector<16xi32>
    tpu.vector_store %arg6[%swap3A_17], %swap3A_20 {strides = array<i32>} : memref<10240xi32, #tpu.memory_space<vmem>>, vector<16xi32>,
    %broadcast_in_dim3A_21 = arith.constant 10000 : i32
    %broadcast_in_dim3A_22 = vector.broadcast %broadcast_in_dim3A_21 : i32 to vector<16xi32>
    %swap3A_23 = arith.constant 10048 : index
    %swap3A_24 = tpu.vector_load %arg6[%swap3A_23] {strides = array<i32>} : memref<10240xi32, #tpu.memory_space<vmem>>, vector<16xi32>,
    %swap3A_25 = vector.shape_cast %swap3A_24 : vector<16xi32> to vector<16xi32>
    %swap3A_26 = vector.shape_cast %broadcast_in_dim3A_22 : vector<16xi32> to vector<16xi32>
    tpu.vector_store %arg6[%swap3A_23], %swap3A_26 {strides = array<i32>} : memref<10240xi32, #tpu.memory_space<vmem>>, vector<16xi32>,
    %broadcast_in_dim3A_27 = arith.constant 10000 : i32
    %broadcast_in_dim3A_28 = vector.broadcast %broadcast_in_dim3A_27 : i32 to vector<16xi32>
    %swap3A_29 = arith.constant 10064 : index
    %swap3A_30 = tpu.vector_load %arg6[%swap3A_29] {strides = array<i32>} : memref<10240xi32, #tpu.memory_space<vmem>>, vector<16xi32>,
    %swap3A_31 = vector.shape_cast %swap3A_30 : vector<16xi32> to vector<16xi32>
    %swap3A_32 = vector.shape_cast %broadcast_in_dim3A_28 : vector<16xi32> to vector<16xi32>
    tpu.vector_store %arg6[%swap3A_29], %swap3A_32 {strides = array<i32>} : memref<10240xi32, #tpu.memory_space<vmem>>, vector<16xi32>,
    %broadcast_in_dim3A_33 = arith.constant 10000 : i32
    %broadcast_in_dim3A_34 = vector.broadcast %broadcast_in_dim3A_33 : i32 to vector<16xi32>
    %swap3A_35 = arith.constant 10080 : index
    %swap3A_36 = tpu.vector_load %arg6[%swap3A_35] {strides = array<i32>} : memref<10240xi32, #tpu.memory_space<vmem>>, vector<16xi32>,
    %swap3A_37 = vector.shape_cast %swap3A_36 : vector<16xi32> to vector<16xi32>
    %swap3A_38 = vector.shape_cast %broadcast_in_dim3A_34 : vector<16xi32> to vector<16xi32>
    tpu.vector_store %arg6[%swap3A_35], %swap3A_38 {strides = array<i32>} : memref<10240xi32, #tpu.memory_space<vmem>>, vector<16xi32>,
    %broadcast_in_dim3A_39 = arith.constant 10000 : i32
    %broadcast_in_dim3A_40 = vector.broadcast %broadcast_in_dim3A_39 : i32 to vector<16xi32>
    %swap3A_41 = arith.constant 10096 : index
    %swap3A_42 = tpu.vector_load %arg6[%swap3A_41] {strides = array<i32>} : memref<10240xi32, #tpu.memory_space<vmem>>, vector<16xi32>,
    %swap3A_43 = vector.shape_cast %swap3A_42 : vector<16xi32> to vector<16xi32>
    %swap3A_44 = vector.shape_cast %broadcast_in_dim3A_40 : vector<16xi32> to vector<16xi32>
    tpu.vector_store %arg6[%swap3A_41], %swap3A_44 {strides = array<i32>} : memref<10240xi32, #tpu.memory_space<vmem>>, vector<16xi32>,
    %broadcast_in_dim3A_45 = arith.constant 10000 : i32
    %broadcast_in_dim3A_46 = vector.broadcast %broadcast_in_dim3A_45 : i32 to vector<16xi32>
    %swap3A_47 = arith.constant 10112 : index
    %swap3A_48 = tpu.vector_load %arg6[%swap3A_47] {strides = array<i32>} : memref<10240xi32, #tpu.memory_space<vmem>>, vector<16xi32>,
    %swap3A_49 = vector.shape_cast %swap3A_48 : vector<16xi32> to vector<16xi32>
    %swap3A_50 = vector.shape_cast %broadcast_in_dim3A_46 : vector<16xi32> to vector<16xi32>
    tpu.vector_store %arg6[%swap3A_47], %swap3A_50 {strides = array<i32>} : memref<10240xi32, #tpu.memory_space<vmem>>, vector<16xi32>,
    %broadcast_in_dim3A_51 = arith.constant 10000 : i32
    %broadcast_in_dim3A_52 = vector.broadcast %broadcast_in_dim3A_51 : i32 to vector<16xi32>
    %swap3A_53 = arith.constant 10128 : index
    %swap3A_54 = tpu.vector_load %arg6[%swap3A_53] {strides = array<i32>} : memref<10240xi32, #tpu.memory_space<vmem>>, vector<16xi32>,
    %swap3A_55 = vector.shape_cast %swap3A_54 : vector<16xi32> to vector<16xi32>
    %swap3A_56 = vector.shape_cast %broadcast_in_dim3A_52 : vector<16xi32> to vector<16xi32>
    tpu.vector_store %arg6[%swap3A_53], %swap3A_56 {strides = array<i32>} : memref<10240xi32, #tpu.memory_space<vmem>>, vector<16xi32>,
    %broadcast_in_dim3A_57 = arith.constant 10000 : i32
    %broadcast_in_dim3A_58 = vector.broadcast %broadcast_in_dim3A_57 : i32 to vector<16xi32>
    %swap3A_59 = arith.constant 10144 : index
    %swap3A_60 = tpu.vector_load %arg6[%swap3A_59] {strides = array<i32>} : memref<10240xi32, #tpu.memory_space<vmem>>, vector<16xi32>,
    %swap3A_61 = vector.shape_cast %swap3A_60 : vector<16xi32> to vector<16xi32>
    %swap3A_62 = vector.shape_cast %broadcast_in_dim3A_58 : vector<16xi32> to vector<16xi32>
    tpu.vector_store %arg6[%swap3A_59], %swap3A_62 {strides = array<i32>} : memref<10240xi32, #tpu.memory_space<vmem>>, vector<16xi32>,
    %broadcast_in_dim3A_63 = arith.constant 10000 : i32
    %broadcast_in_dim3A_64 = vector.broadcast %broadcast_in_dim3A_63 : i32 to vector<16xi32>
    %swap3A_65 = arith.constant 10160 : index
    %swap3A_66 = tpu.vector_load %arg6[%swap3A_65] {strides = array<i32>} : memref<10240xi32, #tpu.memory_space<vmem>>, vector<16xi32>,
    %swap3A_67 = vector.shape_cast %swap3A_66 : vector<16xi32> to vector<16xi32>
    %swap3A_68 = vector.shape_cast %broadcast_in_dim3A_64 : vector<16xi32> to vector<16xi32>
    tpu.vector_store %arg6[%swap3A_65], %swap3A_68 {strides = array<i32>} : memref<10240xi32, #tpu.memory_space<vmem>>, vector<16xi32>,
    %broadcast_in_dim3A_69 = arith.constant 10000 : i32
    %broadcast_in_dim3A_70 = vector.broadcast %broadcast_in_dim3A_69 : i32 to vector<16xi32>
    %swap3A_71 = arith.constant 10176 : index
    %swap3A_72 = tpu.vector_load %arg6[%swap3A_71] {strides = array<i32>} : memref<10240xi32, #tpu.memory_space<vmem>>, vector<16xi32>,
    %swap3A_73 = vector.shape_cast %swap3A_72 : vector<16xi32> to vector<16xi32>
    %swap3A_74 = vector.shape_cast %broadcast_in_dim3A_70 : vector<16xi32> to vector<16xi32>
    tpu.vector_store %arg6[%swap3A_71], %swap3A_74 {strides = array<i32>} : memref<10240xi32, #tpu.memory_space<vmem>>, vector<16xi32>,
    %broadcast_in_dim3A_75 = arith.constant 10000 : i32
    %broadcast_in_dim3A_76 = vector.broadcast %broadcast_in_dim3A_75 : i32 to vector<16xi32>
    %swap3A_77 = arith.constant 10192 : index
    %swap3A_78 = tpu.vector_load %arg6[%swap3A_77] {strides = array<i32>} : memref<10240xi32, #tpu.memory_space<vmem>>, vector<16xi32>,
    %swap3A_79 = vector.shape_cast %swap3A_78 : vector<16xi32> to vector<16xi32>
    %swap3A_80 = vector.shape_cast %broadcast_in_dim3A_76 : vector<16xi32> to vector<16xi32>
    tpu.vector_store %arg6[%swap3A_77], %swap3A_80 {strides = array<i32>} : memref<10240xi32, #tpu.memory_space<vmem>>, vector<16xi32>,
    %broadcast_in_dim3A_81 = arith.constant 10000 : i32
    %broadcast_in_dim3A_82 = vector.broadcast %broadcast_in_dim3A_81 : i32 to vector<16xi32>
    %swap3A_83 = arith.constant 10208 : index
    %swap3A_84 = tpu.vector_load %arg6[%swap3A_83] {strides = array<i32>} : memref<10240xi32, #tpu.memory_space<vmem>>, vector<16xi32>,
    %swap3A_85 = vector.shape_cast %swap3A_84 : vector<16xi32> to vector<16xi32>
    %swap3A_86 = vector.shape_cast %broadcast_in_dim3A_82 : vector<16xi32> to vector<16xi32>
    tpu.vector_store %arg6[%swap3A_83], %swap3A_86 {strides = array<i32>} : memref<10240xi32, #tpu.memory_space<vmem>>, vector<16xi32>,
    %broadcast_in_dim3A_87 = arith.constant 10000 : i32
    %broadcast_in_dim3A_88 = vector.broadcast %broadcast_in_dim3A_87 : i32 to vector<16xi32>
    %swap3A_89 = arith.constant 10224 : index
    %swap3A_90 = tpu.vector_load %arg6[%swap3A_89] {strides = array<i32>} : memref<10240xi32, #tpu.memory_space<vmem>>, vector<16xi32>,
    %swap3A_91 = vector.shape_cast %swap3A_90 : vector<16xi32> to vector<16xi32>
    %swap3A_92 = vector.shape_cast %broadcast_in_dim3A_88 : vector<16xi32> to vector<16xi32>
    tpu.vector_store %arg6[%swap3A_89], %swap3A_92 {strides = array<i32>} : memref<10240xi32, #tpu.memory_space<vmem>>, vector<16xi32>,
    %mul3A_93 = arith.constant 10000 : i32
    %mul3A_94 = arith.muli %add3A, %mul3A_93 : i32
    %add3A_95 = arith.constant 320000 : i32
    %add3A_96 = arith.addi %add3A_95, %mul3A_94 : i32
    "tpu.region"() ({
      %run_scoped3A = tpu.sem_alloc : memref<!tpu.dma_semaphore, #tpu.memory_space<semaphore_mem>>
      %dma_start3A = arith.constant 0 : i32
      %dma_start3A_110 = tpu.memref_slice %arg6[%dma_start3A] : memref<10240xi32, #tpu.memory_space<vmem>> -> memref<10000xi32, #tpu.memory_space<vmem>>
      %dma_start3A_111 = tpu.memref_slice %arg2[%add3A_96] : memref<640000xi32, #tpu.memory_space<hbm>> -> memref<10000xi32, #tpu.memory_space<hbm>>
      %dma_start3A_112 = arith.constant 0 : i32
      %dma_start3A_113 = tpu.memref_slice %arg6[%dma_start3A_112] : memref<10240xi32, #tpu.memory_space<vmem>> -> memref<10000xi32, #tpu.memory_space<vmem>>
      %dma_start3A_114 = tpu.memref_slice %arg2[%add3A_96] : memref<640000xi32, #tpu.memory_space<hbm>> -> memref<10000xi32, #tpu.memory_space<hbm>>
      tpu.enqueue_dma source(%dma_start3A_114 : memref<10000xi32, #tpu.memory_space<hbm>>) target(%dma_start3A_113 : memref<10000xi32, #tpu.memory_space<vmem>>) target_semaphore(%run_scoped3A : memref<!tpu.dma_semaphore, #tpu.memory_space<semaphore_mem>>)
      %dma_wait3A = arith.constant 0 : i32
      %dma_wait3A_115 = tpu.memref_slice %arg6[%dma_wait3A] : memref<10240xi32, #tpu.memory_space<vmem>> -> memref<10000xi32, #tpu.memory_space<vmem>>
      %dma_wait3A_116 = tpu.memref_slice %arg2[%add3A_96] : memref<640000xi32, #tpu.memory_space<hbm>> -> memref<10000xi32, #tpu.memory_space<hbm>>
      %dma_wait3A_117 = arith.constant 0 : i32
      %dma_wait3A_118 = tpu.memref_slice %arg6[%dma_wait3A_117] : memref<10240xi32, #tpu.memory_space<vmem>> -> memref<10000xi32, #tpu.memory_space<vmem>>
      %dma_wait3A_119 = tpu.memref_slice %arg2[%add3A_96] : memref<640000xi32, #tpu.memory_space<hbm>> -> memref<10000xi32, #tpu.memory_space<hbm>>
      tpu.wait_dma2 semaphore(%run_scoped3A : memref<!tpu.dma_semaphore, #tpu.memory_space<semaphore_mem>>) src(%dma_wait3A_119 : memref<10000xi32, #tpu.memory_space<hbm>>) dst(%dma_wait3A_118 : memref<10000xi32, #tpu.memory_space<vmem>>)
      tpu.yield
    }) : () -> ()
    "tpu.region"() ({
      %run_scoped3A = tpu.sem_alloc : memref<!tpu.dma_semaphore, #tpu.memory_space<semaphore_mem>>
      tpu.enqueue_dma source(%arg3 : memref<128x16xf32, #tpu.memory_space<hbm>>) target(%arg7 : memref<128x16xf32, #tpu.memory_space<vmem>>) target_semaphore(%run_scoped3A : memref<!tpu.dma_semaphore, #tpu.memory_space<semaphore_mem>>)
      tpu.wait_dma2 semaphore(%run_scoped3A : memref<!tpu.dma_semaphore, #tpu.memory_space<semaphore_mem>>) src(%arg3 : memref<128x16xf32, #tpu.memory_space<hbm>>) dst(%arg7 : memref<128x16xf32, #tpu.memory_space<vmem>>)
      tpu.yield
    }) : () -> ()
    %barrier3A = arith.constant 0 : index
    tpu.barrier barrier_id(%barrier3A)
    %scan3A = arith.constant 0 : i32
    %scan3A_97 = arith.constant 0 : i32
    %scan3A_98 = arith.constant 80 : i32
    %scan3A_99 = arith.addi %scan3A_97, %scan3A_98 : i32
    %scan3A_100 = arith.constant 1 : i32
    scf.for %scan3A_110 = %scan3A_97 to %scan3A_99 step %scan3A_100  : i32 {
      %mul3A_111 = arith.constant 128 : i32
      %mul3A_112 = arith.muli %scan3A_110, %mul3A_111 : i32
      "tpu.region"() ({
        %run_scoped3A = tpu.sem_alloc : memref<!tpu.dma_semaphore, #tpu.memory_space<semaphore_mem>>
        %dma_start3A = tpu.memref_slice %arg6[%mul3A_112] : memref<10240xi32, #tpu.memory_space<vmem>> -> memref<128xi32, #tpu.memory_space<vmem>>
        %dma_start3A_113 = arith.constant 0 : i32
        %dma_start3A_114 = arith.constant 0 : i32
        %dma_start3A_115 = tpu.memref_slice %arg8[%dma_start3A_113, %dma_start3A_114] : memref<10240x16xf32, #tpu.memory_space<vmem_shared>> -> memref<10240x16xf32, #tpu.memory_space<vmem_shared>>
        tpu.enqueue_indirect_dma source(%arg7 : memref<128x16xf32, #tpu.memory_space<vmem>>) target(%dma_start3A_115 : memref<10240x16xf32, #tpu.memory_space<vmem_shared>>) offsets(%dma_start3A : memref<128xi32, #tpu.memory_space<vmem>>) semaphore(%run_scoped3A : memref<!tpu.dma_semaphore, #tpu.memory_space<semaphore_mem>>) {add = true}
        %dma_wait3A = tpu.memref_slice %arg6[%mul3A_112] : memref<10240xi32, #tpu.memory_space<vmem>> -> memref<128xi32, #tpu.memory_space<vmem>>
        %dma_wait3A_116 = arith.constant 0 : i32
        %dma_wait3A_117 = arith.constant 0 : i32
        %dma_wait3A_118 = tpu.memref_slice %arg8[%dma_wait3A_116, %dma_wait3A_117] : memref<10240x16xf32, #tpu.memory_space<vmem_shared>> -> memref<10240x16xf32, #tpu.memory_space<vmem_shared>>
        tpu.wait_indirect_dma semaphore(%run_scoped3A : memref<!tpu.dma_semaphore, #tpu.memory_space<semaphore_mem>>) src(%arg7 : memref<128x16xf32, #tpu.memory_space<vmem>>) dst(%dma_wait3A_118 : memref<10240x16xf32, #tpu.memory_space<vmem_shared>>)
        tpu.yield
      }) : () -> ()
    }
    %scan3A_101 = arith.constant 80 : i32
    %barrier3A_102 = arith.constant 0 : index
    tpu.barrier barrier_id(%barrier3A_102)
    %mul3A_103 = arith.constant 640 : i32
    %mul3A_104 = arith.muli %arg1, %mul3A_103 : i32
    %mul3A_105 = arith.constant 10240 : i32
    %mul3A_106 = arith.muli %arg0, %mul3A_105 : i32
    %mul3A_107 = arith.constant 640 : i32
    %mul3A_108 = arith.muli %arg1, %mul3A_107 : i32
    %add3A_109 = arith.addi %mul3A_106, %mul3A_108 : i32
    "tpu.region"() ({
      %run_scoped3A = tpu.sem_alloc : memref<!tpu.dma_semaphore, #tpu.memory_space<semaphore_mem>>
      %dma_start3A = arith.constant 0 : i32
      %dma_start3A_110 = tpu.memref_slice %arg5[%add3A_109, %dma_start3A] : memref<20480x16xf32, #tpu.memory_space<hbm>> -> memref<640x16xf32, #tpu.memory_space<hbm>>
      %dma_start3A_111 = arith.constant 0 : i32
      %dma_start3A_112 = tpu.memref_slice %arg8[%mul3A_104, %dma_start3A_111] : memref<10240x16xf32, #tpu.memory_space<vmem_shared>> -> memref<640x16xf32, #tpu.memory_space<vmem_shared>>
      tpu.enqueue_dma source(%dma_start3A_112 : memref<640x16xf32, #tpu.memory_space<vmem_shared>>) target(%dma_start3A_110 : memref<640x16xf32, #tpu.memory_space<hbm>>) target_semaphore(%run_scoped3A : memref<!tpu.dma_semaphore, #tpu.memory_space<semaphore_mem>>)
      %dma_wait3A = arith.constant 0 : i32
      %dma_wait3A_113 = tpu.memref_slice %arg5[%add3A_109, %dma_wait3A] : memref<20480x16xf32, #tpu.memory_space<hbm>> -> memref<640x16xf32, #tpu.memory_space<hbm>>
      %dma_wait3A_114 = arith.constant 0 : i32
      %dma_wait3A_115 = tpu.memref_slice %arg8[%mul3A_104, %dma_wait3A_114] : memref<10240x16xf32, #tpu.memory_space<vmem_shared>> -> memref<640x16xf32, #tpu.memory_space<vmem_shared>>
      tpu.wait_dma2 semaphore(%run_scoped3A : memref<!tpu.dma_semaphore, #tpu.memory_space<semaphore_mem>>) src(%dma_wait3A_115 : memref<640x16xf32, #tpu.memory_space<vmem_shared>>) dst(%dma_wait3A_113 : memref<640x16xf32, #tpu.memory_space<hbm>>)
      tpu.yield
    }) : () -> ()
    return
  }
}

#map = affine_map<(d0, d1) -> (0, 0)>
#map1 = affine_map<(d0, d1) -> (0, 0, 0)>
module attributes {stable_mosaic.version = 14 : i64} {
  func.func @_prop_kernel(%arg0: i32, %arg1: i32, %arg2: memref<10240x128xf32, #tpu.memory_space<hbm>>, %arg3: memref<2560x2x128xi32, #tpu.memory_space<hbm>>, %arg4: memref<10240x64xf32, #tpu.memory_space<hbm>>, %arg5: memref<10240x128xf32, #tpu.memory_space<hbm>>, %arg6: memref<2x128xi32, #tpu.memory_space<vmem>>, %arg7: memref<2x128xi32, #tpu.memory_space<vmem>>, %arg8: memref<128x64xf32, #tpu.memory_space<vmem>>, %arg9: memref<128x64xf32, #tpu.memory_space<vmem>>, %arg10: memref<10240x64xf32, #tpu.memory_space<vmem_shared>>, %arg11: memref<10240x64xf32, #tpu.memory_space<vmem_shared>>, %arg12: memref<!tpu.dma_semaphore, #tpu.memory_space<semaphore_mem>>, %arg13: memref<!tpu.dma_semaphore, #tpu.memory_space<semaphore_mem>>) attributes {dimension_semantics = [#tpu.dimension_semantics<core_parallel>, #tpu.dimension_semantics<subcore_parallel>], iteration_bounds = array<i64: 2, 16>, scalar_prefetch = 0 : i64, scratch_operands = 8 : i64, tpu.core_type = #tpu.core_type<sc_vector_subcore>, window_params = [{transform_indices = #map}, {transform_indices = #map1}, {transform_indices = #map}, {transform_indices = #map}]} {
    %mul3A = arith.constant 160 : i32
    %mul3A_0 = arith.muli %arg1, %mul3A : i32
    %mul3A_1 = arith.constant 640 : i32
    %mul3A_2 = arith.muli %arg1, %mul3A_1 : i32
    %mul3A_3 = arith.constant 64 : i32
    %mul3A_4 = arith.muli %arg0, %mul3A_3 : i32
    %mul3A_5 = arith.constant 640 : i32
    %mul3A_6 = arith.muli %arg1, %mul3A_5 : i32
    "tpu.region"() ({
      %run_scoped3A = tpu.sem_alloc : memref<!tpu.dma_semaphore, #tpu.memory_space<semaphore_mem>>
      %dma_start3A_29 = arith.constant 0 : i32
      %dma_start3A_30 = tpu.memref_slice %arg10[%mul3A_6, %dma_start3A_29] : memref<10240x64xf32, #tpu.memory_space<vmem_shared>> -> memref<640x64xf32, #tpu.memory_space<vmem_shared>>
      %dma_start3A_31 = tpu.memref_slice %arg2[%mul3A_2, %mul3A_4] : memref<10240x128xf32, #tpu.memory_space<hbm>> -> memref<640x64xf32, #tpu.memory_space<hbm>>
      tpu.enqueue_dma source(%dma_start3A_31 : memref<640x64xf32, #tpu.memory_space<hbm>>) target(%dma_start3A_30 : memref<640x64xf32, #tpu.memory_space<vmem_shared>>) target_semaphore(%run_scoped3A : memref<!tpu.dma_semaphore, #tpu.memory_space<semaphore_mem>>)
      %dma_wait3A = arith.constant 0 : i32
      %dma_wait3A_32 = tpu.memref_slice %arg10[%mul3A_6, %dma_wait3A] : memref<10240x64xf32, #tpu.memory_space<vmem_shared>> -> memref<640x64xf32, #tpu.memory_space<vmem_shared>>
      %dma_wait3A_33 = tpu.memref_slice %arg2[%mul3A_2, %mul3A_4] : memref<10240x128xf32, #tpu.memory_space<hbm>> -> memref<640x64xf32, #tpu.memory_space<hbm>>
      tpu.wait_dma2 semaphore(%run_scoped3A : memref<!tpu.dma_semaphore, #tpu.memory_space<semaphore_mem>>) src(%dma_wait3A_33 : memref<640x64xf32, #tpu.memory_space<hbm>>) dst(%dma_wait3A_32 : memref<640x64xf32, #tpu.memory_space<vmem_shared>>)
      tpu.yield
    }) : () -> ()
    %mul3A_7 = arith.constant 640 : i32
    %mul3A_8 = arith.muli %arg1, %mul3A_7 : i32
    %mul3A_9 = arith.constant 640 : i32
    %mul3A_10 = arith.muli %arg1, %mul3A_9 : i32
    "tpu.region"() ({
      %run_scoped3A = tpu.sem_alloc : memref<!tpu.dma_semaphore, #tpu.memory_space<semaphore_mem>>
      %dma_start3A_29 = arith.constant 0 : i32
      %dma_start3A_30 = tpu.memref_slice %arg11[%mul3A_10, %dma_start3A_29] : memref<10240x64xf32, #tpu.memory_space<vmem_shared>> -> memref<640x64xf32, #tpu.memory_space<vmem_shared>>
      %dma_start3A_31 = arith.constant 0 : i32
      %dma_start3A_32 = tpu.memref_slice %arg4[%mul3A_8, %dma_start3A_31] : memref<10240x64xf32, #tpu.memory_space<hbm>> -> memref<640x64xf32, #tpu.memory_space<hbm>>
      tpu.enqueue_dma source(%dma_start3A_32 : memref<640x64xf32, #tpu.memory_space<hbm>>) target(%dma_start3A_30 : memref<640x64xf32, #tpu.memory_space<vmem_shared>>) target_semaphore(%run_scoped3A : memref<!tpu.dma_semaphore, #tpu.memory_space<semaphore_mem>>)
      %dma_wait3A = arith.constant 0 : i32
      %dma_wait3A_33 = tpu.memref_slice %arg11[%mul3A_10, %dma_wait3A] : memref<10240x64xf32, #tpu.memory_space<vmem_shared>> -> memref<640x64xf32, #tpu.memory_space<vmem_shared>>
      %dma_wait3A_34 = arith.constant 0 : i32
      %dma_wait3A_35 = tpu.memref_slice %arg4[%mul3A_8, %dma_wait3A_34] : memref<10240x64xf32, #tpu.memory_space<hbm>> -> memref<640x64xf32, #tpu.memory_space<hbm>>
      tpu.wait_dma2 semaphore(%run_scoped3A : memref<!tpu.dma_semaphore, #tpu.memory_space<semaphore_mem>>) src(%dma_wait3A_35 : memref<640x64xf32, #tpu.memory_space<hbm>>) dst(%dma_wait3A_33 : memref<640x64xf32, #tpu.memory_space<vmem_shared>>)
      tpu.yield
    }) : () -> ()
    %barrier3A = arith.constant 0 : index
    tpu.barrier barrier_id(%barrier3A)
    "tpu.region"() ({
      %run_scoped3A = tpu.sem_alloc : memref<!tpu.dma_semaphore, #tpu.memory_space<semaphore_mem>>
      %dma_start3A_29 = arith.constant 0 : i32
      %dma_start3A_30 = arith.constant 0 : i32
      %dma_start3A_31 = tpu.memref_slice %arg3[%mul3A_0, %dma_start3A_29, %dma_start3A_30] : memref<2560x2x128xi32, #tpu.memory_space<hbm>> -> memref<1x2x128xi32, #tpu.memory_space<hbm>>
      %dma_start3A_32 = tpu.memref_squeeze %dma_start3A_31 : memref<1x2x128xi32, #tpu.memory_space<hbm>> -> memref<2x128xi32, #tpu.memory_space<hbm>>
      %dma_start3A_33 = arith.constant 0 : i32
      %dma_start3A_34 = arith.constant 0 : i32
      %dma_start3A_35 = tpu.memref_slice %arg3[%mul3A_0, %dma_start3A_33, %dma_start3A_34] : memref<2560x2x128xi32, #tpu.memory_space<hbm>> -> memref<1x2x128xi32, #tpu.memory_space<hbm>>
      %dma_start3A_36 = tpu.memref_squeeze %dma_start3A_35 : memref<1x2x128xi32, #tpu.memory_space<hbm>> -> memref<2x128xi32, #tpu.memory_space<hbm>>
      tpu.enqueue_dma source(%dma_start3A_36 : memref<2x128xi32, #tpu.memory_space<hbm>>) target(%arg6 : memref<2x128xi32, #tpu.memory_space<vmem>>) target_semaphore(%run_scoped3A : memref<!tpu.dma_semaphore, #tpu.memory_space<semaphore_mem>>)
      %dma_wait3A = arith.constant 0 : i32
      %dma_wait3A_37 = arith.constant 0 : i32
      %dma_wait3A_38 = tpu.memref_slice %arg3[%mul3A_0, %dma_wait3A, %dma_wait3A_37] : memref<2560x2x128xi32, #tpu.memory_space<hbm>> -> memref<1x2x128xi32, #tpu.memory_space<hbm>>
      %dma_wait3A_39 = tpu.memref_squeeze %dma_wait3A_38 : memref<1x2x128xi32, #tpu.memory_space<hbm>> -> memref<2x128xi32, #tpu.memory_space<hbm>>
      %dma_wait3A_40 = arith.constant 0 : i32
      %dma_wait3A_41 = arith.constant 0 : i32
      %dma_wait3A_42 = tpu.memref_slice %arg3[%mul3A_0, %dma_wait3A_40, %dma_wait3A_41] : memref<2560x2x128xi32, #tpu.memory_space<hbm>> -> memref<1x2x128xi32, #tpu.memory_space<hbm>>
      %dma_wait3A_43 = tpu.memref_squeeze %dma_wait3A_42 : memref<1x2x128xi32, #tpu.memory_space<hbm>> -> memref<2x128xi32, #tpu.memory_space<hbm>>
      tpu.wait_dma2 semaphore(%run_scoped3A : memref<!tpu.dma_semaphore, #tpu.memory_space<semaphore_mem>>) src(%dma_wait3A_43 : memref<2x128xi32, #tpu.memory_space<hbm>>) dst(%arg6 : memref<2x128xi32, #tpu.memory_space<vmem>>)
      tpu.yield
    }) : () -> ()
    %dma_start3A = arith.constant 0 : i32
    %dma_start3A_11 = arith.constant 0 : i32
    %dma_start3A_12 = tpu.memref_slice %arg6[%dma_start3A, %dma_start3A_11] : memref<2x128xi32, #tpu.memory_space<vmem>> -> memref<1x128xi32, #tpu.memory_space<vmem>>
    %dma_start3A_13 = tpu.memref_squeeze %dma_start3A_12 : memref<1x128xi32, #tpu.memory_space<vmem>> -> memref<128xi32, #tpu.memory_space<vmem>>
    %dma_start3A_14 = arith.constant 0 : i32
    %dma_start3A_15 = arith.constant 0 : i32
    %dma_start3A_16 = tpu.memref_slice %arg10[%dma_start3A_14, %dma_start3A_15] : memref<10240x64xf32, #tpu.memory_space<vmem_shared>> -> memref<10240x64xf32, #tpu.memory_space<vmem_shared>>
    tpu.enqueue_indirect_dma source(%dma_start3A_16 : memref<10240x64xf32, #tpu.memory_space<vmem_shared>>) target(%arg8 : memref<128x64xf32, #tpu.memory_space<vmem>>) offsets(%dma_start3A_13 : memref<128xi32, #tpu.memory_space<vmem>>) semaphore(%arg12 : memref<!tpu.dma_semaphore, #tpu.memory_space<semaphore_mem>>)
    %scan3A = arith.constant 0 : i32
    %scan3A_17 = arith.constant 0 : i32
    %scan3A_18 = arith.constant 80 : i32
    %scan3A_19 = arith.addi %scan3A_17, %scan3A_18 : i32
    %scan3A_20 = arith.constant 1 : i32
    scf.for %scan3A_29 = %scan3A_17 to %scan3A_19 step %scan3A_20  : i32 {
      %mul3A_30 = arith.constant 2 : i32
      %mul3A_31 = arith.muli %mul3A_30, %scan3A_29 : i32
      %add3A = arith.addi %mul3A_0, %mul3A_31 : i32
      %add3A_32 = arith.constant 1 : i32
      %add3A_33 = arith.addi %add3A, %add3A_32 : i32
      "tpu.region"() ({
        %run_scoped3A_59 = tpu.sem_alloc : memref<!tpu.dma_semaphore, #tpu.memory_space<semaphore_mem>>
        %dma_start3A_60 = arith.constant 0 : i32
        %dma_start3A_61 = arith.constant 0 : i32
        %dma_start3A_62 = tpu.memref_slice %arg3[%add3A_33, %dma_start3A_60, %dma_start3A_61] : memref<2560x2x128xi32, #tpu.memory_space<hbm>> -> memref<1x2x128xi32, #tpu.memory_space<hbm>>
        %dma_start3A_63 = tpu.memref_squeeze %dma_start3A_62 : memref<1x2x128xi32, #tpu.memory_space<hbm>> -> memref<2x128xi32, #tpu.memory_space<hbm>>
        %dma_start3A_64 = arith.constant 0 : i32
        %dma_start3A_65 = arith.constant 0 : i32
        %dma_start3A_66 = tpu.memref_slice %arg3[%add3A_33, %dma_start3A_64, %dma_start3A_65] : memref<2560x2x128xi32, #tpu.memory_space<hbm>> -> memref<1x2x128xi32, #tpu.memory_space<hbm>>
        %dma_start3A_67 = tpu.memref_squeeze %dma_start3A_66 : memref<1x2x128xi32, #tpu.memory_space<hbm>> -> memref<2x128xi32, #tpu.memory_space<hbm>>
        tpu.enqueue_dma source(%dma_start3A_67 : memref<2x128xi32, #tpu.memory_space<hbm>>) target(%arg7 : memref<2x128xi32, #tpu.memory_space<vmem>>) target_semaphore(%run_scoped3A_59 : memref<!tpu.dma_semaphore, #tpu.memory_space<semaphore_mem>>)
        %dma_wait3A_68 = arith.constant 0 : i32
        %dma_wait3A_69 = arith.constant 0 : i32
        %dma_wait3A_70 = tpu.memref_slice %arg3[%add3A_33, %dma_wait3A_68, %dma_wait3A_69] : memref<2560x2x128xi32, #tpu.memory_space<hbm>> -> memref<1x2x128xi32, #tpu.memory_space<hbm>>
        %dma_wait3A_71 = tpu.memref_squeeze %dma_wait3A_70 : memref<1x2x128xi32, #tpu.memory_space<hbm>> -> memref<2x128xi32, #tpu.memory_space<hbm>>
        %dma_wait3A_72 = arith.constant 0 : i32
        %dma_wait3A_73 = arith.constant 0 : i32
        %dma_wait3A_74 = tpu.memref_slice %arg3[%add3A_33, %dma_wait3A_72, %dma_wait3A_73] : memref<2560x2x128xi32, #tpu.memory_space<hbm>> -> memref<1x2x128xi32, #tpu.memory_space<hbm>>
        %dma_wait3A_75 = tpu.memref_squeeze %dma_wait3A_74 : memref<1x2x128xi32, #tpu.memory_space<hbm>> -> memref<2x128xi32, #tpu.memory_space<hbm>>
        tpu.wait_dma2 semaphore(%run_scoped3A_59 : memref<!tpu.dma_semaphore, #tpu.memory_space<semaphore_mem>>) src(%dma_wait3A_75 : memref<2x128xi32, #tpu.memory_space<hbm>>) dst(%arg7 : memref<2x128xi32, #tpu.memory_space<vmem>>)
        tpu.yield
      }) : () -> ()
      %dma_start3A_34 = arith.constant 0 : i32
      %dma_start3A_35 = arith.constant 0 : i32
      %dma_start3A_36 = tpu.memref_slice %arg7[%dma_start3A_34, %dma_start3A_35] : memref<2x128xi32, #tpu.memory_space<vmem>> -> memref<1x128xi32, #tpu.memory_space<vmem>>
      %dma_start3A_37 = tpu.memref_squeeze %dma_start3A_36 : memref<1x128xi32, #tpu.memory_space<vmem>> -> memref<128xi32, #tpu.memory_space<vmem>>
      %dma_start3A_38 = arith.constant 0 : i32
      %dma_start3A_39 = arith.constant 0 : i32
      %dma_start3A_40 = tpu.memref_slice %arg10[%dma_start3A_38, %dma_start3A_39] : memref<10240x64xf32, #tpu.memory_space<vmem_shared>> -> memref<10240x64xf32, #tpu.memory_space<vmem_shared>>
      tpu.enqueue_indirect_dma source(%dma_start3A_40 : memref<10240x64xf32, #tpu.memory_space<vmem_shared>>) target(%arg9 : memref<128x64xf32, #tpu.memory_space<vmem>>) offsets(%dma_start3A_37 : memref<128xi32, #tpu.memory_space<vmem>>) semaphore(%arg13 : memref<!tpu.dma_semaphore, #tpu.memory_space<semaphore_mem>>)
      %dma_wait3A = arith.constant 0 : i32
      %dma_wait3A_41 = arith.constant 0 : i32
      %dma_wait3A_42 = tpu.memref_slice %arg6[%dma_wait3A, %dma_wait3A_41] : memref<2x128xi32, #tpu.memory_space<vmem>> -> memref<1x128xi32, #tpu.memory_space<vmem>>
      %dma_wait3A_43 = tpu.memref_squeeze %dma_wait3A_42 : memref<1x128xi32, #tpu.memory_space<vmem>> -> memref<128xi32, #tpu.memory_space<vmem>>
      %dma_wait3A_44 = arith.constant 0 : i32
      %dma_wait3A_45 = arith.constant 0 : i32
      %dma_wait3A_46 = tpu.memref_slice %arg10[%dma_wait3A_44, %dma_wait3A_45] : memref<10240x64xf32, #tpu.memory_space<vmem_shared>> -> memref<10240x64xf32, #tpu.memory_space<vmem_shared>>
      tpu.wait_indirect_dma semaphore(%arg12 : memref<!tpu.dma_semaphore, #tpu.memory_space<semaphore_mem>>) src(%dma_wait3A_46 : memref<10240x64xf32, #tpu.memory_space<vmem_shared>>) dst(%arg8 : memref<128x64xf32, #tpu.memory_space<vmem>>)
      %run_scoped3A = arith.constant 1 : i32
      "tpu.region"() ({
        %run_scoped3A_59 = tpu.sem_alloc : memref<!tpu.dma_semaphore, #tpu.memory_space<semaphore_mem>>
        %dma_start3A_60 = arith.constant 0 : i32
        %dma_start3A_61 = tpu.memref_slice %arg6[%run_scoped3A, %dma_start3A_60] : memref<2x128xi32, #tpu.memory_space<vmem>> -> memref<1x128xi32, #tpu.memory_space<vmem>>
        %dma_start3A_62 = tpu.memref_squeeze %dma_start3A_61 : memref<1x128xi32, #tpu.memory_space<vmem>> -> memref<128xi32, #tpu.memory_space<vmem>>
        %dma_start3A_63 = arith.constant 0 : i32
        %dma_start3A_64 = arith.constant 0 : i32
        %dma_start3A_65 = tpu.memref_slice %arg11[%dma_start3A_63, %dma_start3A_64] : memref<10240x64xf32, #tpu.memory_space<vmem_shared>> -> memref<10240x64xf32, #tpu.memory_space<vmem_shared>>
        tpu.enqueue_indirect_dma source(%arg8 : memref<128x64xf32, #tpu.memory_space<vmem>>) target(%dma_start3A_65 : memref<10240x64xf32, #tpu.memory_space<vmem_shared>>) offsets(%dma_start3A_62 : memref<128xi32, #tpu.memory_space<vmem>>) semaphore(%run_scoped3A_59 : memref<!tpu.dma_semaphore, #tpu.memory_space<semaphore_mem>>) {add = true}
        %dma_wait3A_66 = arith.constant 0 : i32
        %dma_wait3A_67 = tpu.memref_slice %arg6[%run_scoped3A, %dma_wait3A_66] : memref<2x128xi32, #tpu.memory_space<vmem>> -> memref<1x128xi32, #tpu.memory_space<vmem>>
        %dma_wait3A_68 = tpu.memref_squeeze %dma_wait3A_67 : memref<1x128xi32, #tpu.memory_space<vmem>> -> memref<128xi32, #tpu.memory_space<vmem>>
        %dma_wait3A_69 = arith.constant 0 : i32
        %dma_wait3A_70 = arith.constant 0 : i32
        %dma_wait3A_71 = tpu.memref_slice %arg11[%dma_wait3A_69, %dma_wait3A_70] : memref<10240x64xf32, #tpu.memory_space<vmem_shared>> -> memref<10240x64xf32, #tpu.memory_space<vmem_shared>>
        tpu.wait_indirect_dma semaphore(%run_scoped3A_59 : memref<!tpu.dma_semaphore, #tpu.memory_space<semaphore_mem>>) src(%arg8 : memref<128x64xf32, #tpu.memory_space<vmem>>) dst(%dma_wait3A_71 : memref<10240x64xf32, #tpu.memory_space<vmem_shared>>)
        tpu.yield
      }) : () -> ()
      %add3A_47 = arith.constant 1 : i32
      %add3A_48 = arith.addi %scan3A_29, %add3A_47 : i32
      %lt3A = arith.constant 80 : i32
      %lt3A_49 = arith.cmpi slt, %add3A_48, %lt3A : i32
      %convert_element_type3A = arith.extui %lt3A_49 : i1 to i32
      %cond3A = arith.constant 0 : i32
      %cond3A_50 = arith.cmpi ne, %convert_element_type3A, %cond3A : i32
      scf.if %cond3A_50 {
        %add3A_59 = arith.constant 2 : i32
        %add3A_60 = arith.addi %add3A, %add3A_59 : i32
        "tpu.region"() ({
          %run_scoped3A_68 = tpu.sem_alloc : memref<!tpu.dma_semaphore, #tpu.memory_space<semaphore_mem>>
          %dma_start3A_69 = arith.constant 0 : i32
          %dma_start3A_70 = arith.constant 0 : i32
          %dma_start3A_71 = tpu.memref_slice %arg3[%add3A_60, %dma_start3A_69, %dma_start3A_70] : memref<2560x2x128xi32, #tpu.memory_space<hbm>> -> memref<1x2x128xi32, #tpu.memory_space<hbm>>
          %dma_start3A_72 = tpu.memref_squeeze %dma_start3A_71 : memref<1x2x128xi32, #tpu.memory_space<hbm>> -> memref<2x128xi32, #tpu.memory_space<hbm>>
          %dma_start3A_73 = arith.constant 0 : i32
          %dma_start3A_74 = arith.constant 0 : i32
          %dma_start3A_75 = tpu.memref_slice %arg3[%add3A_60, %dma_start3A_73, %dma_start3A_74] : memref<2560x2x128xi32, #tpu.memory_space<hbm>> -> memref<1x2x128xi32, #tpu.memory_space<hbm>>
          %dma_start3A_76 = tpu.memref_squeeze %dma_start3A_75 : memref<1x2x128xi32, #tpu.memory_space<hbm>> -> memref<2x128xi32, #tpu.memory_space<hbm>>
          tpu.enqueue_dma source(%dma_start3A_76 : memref<2x128xi32, #tpu.memory_space<hbm>>) target(%arg6 : memref<2x128xi32, #tpu.memory_space<vmem>>) target_semaphore(%run_scoped3A_68 : memref<!tpu.dma_semaphore, #tpu.memory_space<semaphore_mem>>)
          %dma_wait3A_77 = arith.constant 0 : i32
          %dma_wait3A_78 = arith.constant 0 : i32
          %dma_wait3A_79 = tpu.memref_slice %arg3[%add3A_60, %dma_wait3A_77, %dma_wait3A_78] : memref<2560x2x128xi32, #tpu.memory_space<hbm>> -> memref<1x2x128xi32, #tpu.memory_space<hbm>>
          %dma_wait3A_80 = tpu.memref_squeeze %dma_wait3A_79 : memref<1x2x128xi32, #tpu.memory_space<hbm>> -> memref<2x128xi32, #tpu.memory_space<hbm>>
          %dma_wait3A_81 = arith.constant 0 : i32
          %dma_wait3A_82 = arith.constant 0 : i32
          %dma_wait3A_83 = tpu.memref_slice %arg3[%add3A_60, %dma_wait3A_81, %dma_wait3A_82] : memref<2560x2x128xi32, #tpu.memory_space<hbm>> -> memref<1x2x128xi32, #tpu.memory_space<hbm>>
          %dma_wait3A_84 = tpu.memref_squeeze %dma_wait3A_83 : memref<1x2x128xi32, #tpu.memory_space<hbm>> -> memref<2x128xi32, #tpu.memory_space<hbm>>
          tpu.wait_dma2 semaphore(%run_scoped3A_68 : memref<!tpu.dma_semaphore, #tpu.memory_space<semaphore_mem>>) src(%dma_wait3A_84 : memref<2x128xi32, #tpu.memory_space<hbm>>) dst(%arg6 : memref<2x128xi32, #tpu.memory_space<vmem>>)
          tpu.yield
        }) : () -> ()
        %dma_start3A_61 = arith.constant 0 : i32
        %dma_start3A_62 = arith.constant 0 : i32
        %dma_start3A_63 = tpu.memref_slice %arg6[%dma_start3A_61, %dma_start3A_62] : memref<2x128xi32, #tpu.memory_space<vmem>> -> memref<1x128xi32, #tpu.memory_space<vmem>>
        %dma_start3A_64 = tpu.memref_squeeze %dma_start3A_63 : memref<1x128xi32, #tpu.memory_space<vmem>> -> memref<128xi32, #tpu.memory_space<vmem>>
        %dma_start3A_65 = arith.constant 0 : i32
        %dma_start3A_66 = arith.constant 0 : i32
        %dma_start3A_67 = tpu.memref_slice %arg10[%dma_start3A_65, %dma_start3A_66] : memref<10240x64xf32, #tpu.memory_space<vmem_shared>> -> memref<10240x64xf32, #tpu.memory_space<vmem_shared>>
        tpu.enqueue_indirect_dma source(%dma_start3A_67 : memref<10240x64xf32, #tpu.memory_space<vmem_shared>>) target(%arg8 : memref<128x64xf32, #tpu.memory_space<vmem>>) offsets(%dma_start3A_64 : memref<128xi32, #tpu.memory_space<vmem>>) semaphore(%arg12 : memref<!tpu.dma_semaphore, #tpu.memory_space<semaphore_mem>>)
      } else {
      }
      %dma_wait3A_51 = arith.constant 0 : i32
      %dma_wait3A_52 = arith.constant 0 : i32
      %dma_wait3A_53 = tpu.memref_slice %arg7[%dma_wait3A_51, %dma_wait3A_52] : memref<2x128xi32, #tpu.memory_space<vmem>> -> memref<1x128xi32, #tpu.memory_space<vmem>>
      %dma_wait3A_54 = tpu.memref_squeeze %dma_wait3A_53 : memref<1x128xi32, #tpu.memory_space<vmem>> -> memref<128xi32, #tpu.memory_space<vmem>>
      %dma_wait3A_55 = arith.constant 0 : i32
      %dma_wait3A_56 = arith.constant 0 : i32
      %dma_wait3A_57 = tpu.memref_slice %arg10[%dma_wait3A_55, %dma_wait3A_56] : memref<10240x64xf32, #tpu.memory_space<vmem_shared>> -> memref<10240x64xf32, #tpu.memory_space<vmem_shared>>
      tpu.wait_indirect_dma semaphore(%arg13 : memref<!tpu.dma_semaphore, #tpu.memory_space<semaphore_mem>>) src(%dma_wait3A_57 : memref<10240x64xf32, #tpu.memory_space<vmem_shared>>) dst(%arg9 : memref<128x64xf32, #tpu.memory_space<vmem>>)
      %run_scoped3A_58 = arith.constant 1 : i32
      "tpu.region"() ({
        %run_scoped3A_59 = tpu.sem_alloc : memref<!tpu.dma_semaphore, #tpu.memory_space<semaphore_mem>>
        %dma_start3A_60 = arith.constant 0 : i32
        %dma_start3A_61 = tpu.memref_slice %arg7[%run_scoped3A_58, %dma_start3A_60] : memref<2x128xi32, #tpu.memory_space<vmem>> -> memref<1x128xi32, #tpu.memory_space<vmem>>
        %dma_start3A_62 = tpu.memref_squeeze %dma_start3A_61 : memref<1x128xi32, #tpu.memory_space<vmem>> -> memref<128xi32, #tpu.memory_space<vmem>>
        %dma_start3A_63 = arith.constant 0 : i32
        %dma_start3A_64 = arith.constant 0 : i32
        %dma_start3A_65 = tpu.memref_slice %arg11[%dma_start3A_63, %dma_start3A_64] : memref<10240x64xf32, #tpu.memory_space<vmem_shared>> -> memref<10240x64xf32, #tpu.memory_space<vmem_shared>>
        tpu.enqueue_indirect_dma source(%arg9 : memref<128x64xf32, #tpu.memory_space<vmem>>) target(%dma_start3A_65 : memref<10240x64xf32, #tpu.memory_space<vmem_shared>>) offsets(%dma_start3A_62 : memref<128xi32, #tpu.memory_space<vmem>>) semaphore(%run_scoped3A_59 : memref<!tpu.dma_semaphore, #tpu.memory_space<semaphore_mem>>) {add = true}
        %dma_wait3A_66 = arith.constant 0 : i32
        %dma_wait3A_67 = tpu.memref_slice %arg7[%run_scoped3A_58, %dma_wait3A_66] : memref<2x128xi32, #tpu.memory_space<vmem>> -> memref<1x128xi32, #tpu.memory_space<vmem>>
        %dma_wait3A_68 = tpu.memref_squeeze %dma_wait3A_67 : memref<1x128xi32, #tpu.memory_space<vmem>> -> memref<128xi32, #tpu.memory_space<vmem>>
        %dma_wait3A_69 = arith.constant 0 : i32
        %dma_wait3A_70 = arith.constant 0 : i32
        %dma_wait3A_71 = tpu.memref_slice %arg11[%dma_wait3A_69, %dma_wait3A_70] : memref<10240x64xf32, #tpu.memory_space<vmem_shared>> -> memref<10240x64xf32, #tpu.memory_space<vmem_shared>>
        tpu.wait_indirect_dma semaphore(%run_scoped3A_59 : memref<!tpu.dma_semaphore, #tpu.memory_space<semaphore_mem>>) src(%arg9 : memref<128x64xf32, #tpu.memory_space<vmem>>) dst(%dma_wait3A_71 : memref<10240x64xf32, #tpu.memory_space<vmem_shared>>)
        tpu.yield
      }) : () -> ()
    }
    %scan3A_21 = arith.constant 80 : i32
    %barrier3A_22 = arith.constant 0 : index
    tpu.barrier barrier_id(%barrier3A_22)
    %mul3A_23 = arith.constant 640 : i32
    %mul3A_24 = arith.muli %arg1, %mul3A_23 : i32
    %mul3A_25 = arith.constant 640 : i32
    %mul3A_26 = arith.muli %arg1, %mul3A_25 : i32
    %mul3A_27 = arith.constant 64 : i32
    %mul3A_28 = arith.muli %arg0, %mul3A_27 : i32
    "tpu.region"() ({
      %run_scoped3A = tpu.sem_alloc : memref<!tpu.dma_semaphore, #tpu.memory_space<semaphore_mem>>
      %dma_start3A_29 = tpu.memref_slice %arg5[%mul3A_26, %mul3A_28] : memref<10240x128xf32, #tpu.memory_space<hbm>> -> memref<640x64xf32, #tpu.memory_space<hbm>>
      %dma_start3A_30 = arith.constant 0 : i32
      %dma_start3A_31 = tpu.memref_slice %arg11[%mul3A_24, %dma_start3A_30] : memref<10240x64xf32, #tpu.memory_space<vmem_shared>> -> memref<640x64xf32, #tpu.memory_space<vmem_shared>>
      tpu.enqueue_dma source(%dma_start3A_31 : memref<640x64xf32, #tpu.memory_space<vmem_shared>>) target(%dma_start3A_29 : memref<640x64xf32, #tpu.memory_space<hbm>>) target_semaphore(%run_scoped3A : memref<!tpu.dma_semaphore, #tpu.memory_space<semaphore_mem>>)
      %dma_wait3A = tpu.memref_slice %arg5[%mul3A_26, %mul3A_28] : memref<10240x128xf32, #tpu.memory_space<hbm>> -> memref<640x64xf32, #tpu.memory_space<hbm>>
      %dma_wait3A_32 = arith.constant 0 : i32
      %dma_wait3A_33 = tpu.memref_slice %arg11[%mul3A_24, %dma_wait3A_32] : memref<10240x64xf32, #tpu.memory_space<vmem_shared>> -> memref<640x64xf32, #tpu.memory_space<vmem_shared>>
      tpu.wait_dma2 semaphore(%run_scoped3A : memref<!tpu.dma_semaphore, #tpu.memory_space<semaphore_mem>>) src(%dma_wait3A_33 : memref<640x64xf32, #tpu.memory_space<vmem_shared>>) dst(%dma_wait3A : memref<640x64xf32, #tpu.memory_space<hbm>>)
      tpu.yield
    }) : () -> ()
    return
  }
}

module attributes {stable_mosaic.version = 14 : i64} {
  func.func @_prep_body(%arg0: memref<20480x16xf32, #tpu.memory_space<vmem>>, %arg1: memref<10000x128xf32, #tpu.memory_space<vmem>>, %arg2: memref<10240x128xf32, #tpu.memory_space<vmem>>) attributes {dimension_semantics = [], scalar_prefetch = 0 : i64, scratch_operands = 0 : i64, tpu.core_type = #tpu.core_type<tc>} {
    %get3A = arith.constant 0 : index
    %get3A_0 = arith.constant 0 : index
    %get3A_1 = vector.load %arg0[%get3A, %get3A_0] : memref<20480x16xf32, #tpu.memory_space<vmem>>, vector<10000x1xf32>
    %get3A_2 = arith.constant 10240 : index
    %get3A_3 = arith.constant 0 : index
    %get3A_4 = vector.load %arg0[%get3A_2, %get3A_3] : memref<20480x16xf32, #tpu.memory_space<vmem>>, vector<10000x1xf32>
    %add3A = arith.addf %get3A_1, %get3A_4 : vector<10000x1xf32>
    %add3A_5 = arith.constant 2.000000e+00 : f32
    %add3A_6 = vector.broadcast %add3A_5 : f32 to vector<10000x1xf32>
    %add3A_7 = arith.addf %add3A, %add3A_6 : vector<10000x1xf32>
    %rsqrt3A = math.rsqrt %add3A_7 : vector<10000x1xf32>
    %get3A_8 = arith.constant 0 : index
    %get3A_9 = arith.constant 0 : index
    %get3A_10 = vector.load %arg1[%get3A_8, %get3A_9] : memref<10000x128xf32, #tpu.memory_space<vmem>>, vector<10000x128xf32>
    %mul3A = vector.broadcast %rsqrt3A : vector<10000x1xf32> to vector<10000x128xf32>
    %mul3A_11 = arith.mulf %mul3A, %get3A_10 : vector<10000x128xf32>
    %swap3A = arith.constant 0 : index
    %swap3A_12 = arith.constant 0 : index
    %swap3A_13 = vector.load %arg2[%swap3A, %swap3A_12] : memref<10240x128xf32, #tpu.memory_space<vmem>>, vector<10000x128xf32>
    tpu.vector_store %arg2[%swap3A, %swap3A_12], %mul3A_11 {strides = array<i32>} : memref<10240x128xf32, #tpu.memory_space<vmem>>, vector<10000x128xf32>,
    %broadcast_in_dim3A = arith.constant 0.000000e+00 : f32
    %broadcast_in_dim3A_14 = vector.broadcast %broadcast_in_dim3A : f32 to vector<240x128xf32>
    %swap3A_15 = arith.constant 10000 : index
    %swap3A_16 = arith.constant 0 : index
    %swap3A_17 = vector.load %arg2[%swap3A_15, %swap3A_16] : memref<10240x128xf32, #tpu.memory_space<vmem>>, vector<240x128xf32>
    tpu.vector_store %arg2[%swap3A_15, %swap3A_16], %broadcast_in_dim3A_14 {strides = array<i32>} : memref<10240x128xf32, #tpu.memory_space<vmem>>, vector<240x128xf32>,
    return
  }
}

module attributes {stable_mosaic.version = 14 : i64} {
  func.func @_dense_body(%arg0: memref<10240x128xf32, #tpu.memory_space<vmem>>, %arg1: memref<20480x16xf32, #tpu.memory_space<vmem>>, %arg2: memref<10000x128xf32, #tpu.memory_space<vmem>>, %arg3: memref<128x128xf32, #tpu.memory_space<vmem>>, %arg4: memref<256x128xf32, #tpu.memory_space<vmem>>, %arg5: memref<1x128xf32, #tpu.memory_space<vmem>>, %arg6: memref<1x128xf32, #tpu.memory_space<vmem>>, %arg7: memref<128x128xf32, #tpu.memory_space<vmem>>, %arg8: memref<256x128xf32, #tpu.memory_space<vmem>>, %arg9: memref<1x128xf32, #tpu.memory_space<vmem>>, %arg10: memref<1x128xf32, #tpu.memory_space<vmem>>, %arg11: memref<128x1xf32, #tpu.memory_space<vmem>>, %arg12: memref<1x1xf32, #tpu.memory_space<vmem>>, %arg13: memref<10000x1xf32, #tpu.memory_space<vmem>>) attributes {dimension_semantics = [], scalar_prefetch = 0 : i64, scratch_operands = 0 : i64, tpu.core_type = #tpu.core_type<tc>} {
    %get3A = arith.constant 0 : index
    %get3A_0 = arith.constant 0 : index
    %get3A_1 = vector.load %arg1[%get3A, %get3A_0] : memref<20480x16xf32, #tpu.memory_space<vmem>>, vector<10000x1xf32>
    %get3A_2 = arith.constant 10240 : index
    %get3A_3 = arith.constant 0 : index
    %get3A_4 = vector.load %arg1[%get3A_2, %get3A_3] : memref<20480x16xf32, #tpu.memory_space<vmem>>, vector<10000x1xf32>
    %add3A = arith.addf %get3A_1, %get3A_4 : vector<10000x1xf32>
    %add3A_5 = arith.constant 2.000000e+00 : f32
    %add3A_6 = vector.broadcast %add3A_5 : f32 to vector<10000x1xf32>
    %add3A_7 = arith.addf %add3A, %add3A_6 : vector<10000x1xf32>
    %rsqrt3A = math.rsqrt %add3A_7 : vector<10000x1xf32>
    %get3A_8 = arith.constant 0 : index
    %get3A_9 = arith.constant 0 : index
    %get3A_10 = vector.load %arg0[%get3A_8, %get3A_9] : memref<10240x128xf32, #tpu.memory_space<vmem>>, vector<10000x128xf32>
    %mul3A = vector.broadcast %rsqrt3A : vector<10000x1xf32> to vector<10000x128xf32>
    %mul3A_11 = arith.mulf %mul3A, %get3A_10 : vector<10000x128xf32>
    %mul3A_12 = arith.constant 2.000000e+00 : f32
    %mul3A_13 = vector.broadcast %mul3A_12 : f32 to vector<10000x1xf32>
    %mul3A_14 = arith.mulf %mul3A_13, %rsqrt3A : vector<10000x1xf32>
    %mul3A_15 = arith.mulf %mul3A_14, %rsqrt3A : vector<10000x1xf32>
    %get3A_16 = arith.constant 0 : index
    %get3A_17 = arith.constant 0 : index
    %get3A_18 = vector.load %arg2[%get3A_16, %get3A_17] : memref<10000x128xf32, #tpu.memory_space<vmem>>, vector<10000x128xf32>
    %mul3A_19 = vector.broadcast %mul3A_15 : vector<10000x1xf32> to vector<10000x128xf32>
    %mul3A_20 = arith.mulf %mul3A_19, %get3A_18 : vector<10000x128xf32>
    %add3A_21 = arith.addf %mul3A_11, %mul3A_20 : vector<10000x128xf32>
    %get3A_22 = arith.constant 0 : index
    %get3A_23 = arith.constant 0 : index
    %get3A_24 = vector.load %arg3[%get3A_22, %get3A_23] : memref<128x128xf32, #tpu.memory_space<vmem>>, vector<128x128xf32>
    %get3A_25 = arith.constant 0 : index
    %get3A_26 = arith.constant 0 : index
    %get3A_27 = vector.load %arg4[%get3A_25, %get3A_26] : memref<256x128xf32, #tpu.memory_space<vmem>>, vector<128x128xf32>
    %dot_general3A = arith.constant dense<0.000000e+00> : vector<128x128xf32>
    %dot_general3A_28 = tpu.matmul %get3A_24, %get3A_27, %dot_general3A {dimension_numbers = #tpu.dot_dimension_numbers<[1], [0], [0], [1], [0, 0, 1, 1], [], []>, transpose_lhs_hint = false} : vector<128x128xf32>, vector<128x128xf32>, vector<128x128xf32> -> vector<128x128xf32>
    %get3A_29 = arith.constant 0 : index
    %get3A_30 = arith.constant 0 : index
    %get3A_31 = vector.load %arg7[%get3A_29, %get3A_30] : memref<128x128xf32, #tpu.memory_space<vmem>>, vector<128x128xf32>
    %get3A_32 = arith.constant 0 : index
    %get3A_33 = arith.constant 0 : index
    %get3A_34 = vector.load %arg8[%get3A_32, %get3A_33] : memref<256x128xf32, #tpu.memory_space<vmem>>, vector<128x128xf32>
    %dot_general3A_35 = arith.constant dense<0.000000e+00> : vector<128x128xf32>
    %dot_general3A_36 = tpu.matmul %get3A_31, %get3A_34, %dot_general3A_35 {dimension_numbers = #tpu.dot_dimension_numbers<[1], [0], [0], [1], [0, 0, 1, 1], [], []>, transpose_lhs_hint = false} : vector<128x128xf32>, vector<128x128xf32>, vector<128x128xf32> -> vector<128x128xf32>
    %get3A_37 = arith.constant 0 : index
    %get3A_38 = arith.constant 0 : index
    %get3A_39 = vector.load %arg5[%get3A_37, %get3A_38] : memref<1x128xf32, #tpu.memory_space<vmem>>, vector<1x128xf32>
    %get3A_40 = arith.constant 0 : index
    %get3A_41 = arith.constant 0 : index
    %get3A_42 = vector.load %arg4[%get3A_40, %get3A_41] : memref<256x128xf32, #tpu.memory_space<vmem>>, vector<128x128xf32>
    %dot_general3A_43 = arith.constant dense<0.000000e+00> : vector<1x128xf32>
    %dot_general3A_44 = tpu.matmul %get3A_39, %get3A_42, %dot_general3A_43 {dimension_numbers = #tpu.dot_dimension_numbers<[1], [0], [0], [1], [0, 0, 1, 1], [], []>, transpose_lhs_hint = false} : vector<1x128xf32>, vector<128x128xf32>, vector<1x128xf32> -> vector<1x128xf32>
    %get3A_45 = arith.constant 0 : index
    %get3A_46 = arith.constant 0 : index
    %get3A_47 = vector.load %arg6[%get3A_45, %get3A_46] : memref<1x128xf32, #tpu.memory_space<vmem>>, vector<1x128xf32>
    %add3A_48 = arith.addf %dot_general3A_44, %get3A_47 : vector<1x128xf32>
    %get3A_49 = arith.constant 0 : index
    %get3A_50 = arith.constant 0 : index
    %get3A_51 = vector.load %arg9[%get3A_49, %get3A_50] : memref<1x128xf32, #tpu.memory_space<vmem>>, vector<1x128xf32>
    %get3A_52 = arith.constant 0 : index
    %get3A_53 = arith.constant 0 : index
    %get3A_54 = vector.load %arg8[%get3A_52, %get3A_53] : memref<256x128xf32, #tpu.memory_space<vmem>>, vector<128x128xf32>
    %dot_general3A_55 = arith.constant dense<0.000000e+00> : vector<1x128xf32>
    %dot_general3A_56 = tpu.matmul %get3A_51, %get3A_54, %dot_general3A_55 {dimension_numbers = #tpu.dot_dimension_numbers<[1], [0], [0], [1], [0, 0, 1, 1], [], []>, transpose_lhs_hint = false} : vector<1x128xf32>, vector<128x128xf32>, vector<1x128xf32> -> vector<1x128xf32>
    %get3A_57 = arith.constant 0 : index
    %get3A_58 = arith.constant 0 : index
    %get3A_59 = vector.load %arg10[%get3A_57, %get3A_58] : memref<1x128xf32, #tpu.memory_space<vmem>>, vector<1x128xf32>
    %add3A_60 = arith.addf %dot_general3A_56, %get3A_59 : vector<1x128xf32>
    %dot_general3A_61 = arith.constant dense<0.000000e+00> : vector<10000x128xf32>
    %dot_general3A_62 = tpu.matmul %add3A_21, %dot_general3A_28, %dot_general3A_61 {dimension_numbers = #tpu.dot_dimension_numbers<[1], [0], [0], [1], [0, 0, 1, 1], [], []>, transpose_lhs_hint = false} : vector<10000x128xf32>, vector<128x128xf32>, vector<10000x128xf32> -> vector<10000x128xf32>
    %add3A_63 = vector.broadcast %add3A_48 : vector<1x128xf32> to vector<10000x128xf32>
    %add3A_64 = arith.addf %dot_general3A_62, %add3A_63 : vector<10000x128xf32>
    %logistic3A = arith.negf %add3A_64 : vector<10000x128xf32>
    %logistic3A_65 = math.exp %logistic3A : vector<10000x128xf32>
    %logistic3A_66 = arith.constant 1.000000e+00 : f32
    %logistic3A_67 = vector.broadcast %logistic3A_66 : f32 to vector<10000x128xf32>
    %logistic3A_68 = arith.addf %logistic3A_67, %logistic3A_65 : vector<10000x128xf32>
    %logistic3A_69 = arith.divf %logistic3A_67, %logistic3A_68 : vector<10000x128xf32>
    %dot_general3A_70 = arith.constant dense<0.000000e+00> : vector<10000x128xf32>
    %dot_general3A_71 = tpu.matmul %add3A_21, %dot_general3A_36, %dot_general3A_70 {dimension_numbers = #tpu.dot_dimension_numbers<[1], [0], [0], [1], [0, 0, 1, 1], [], []>, transpose_lhs_hint = false} : vector<10000x128xf32>, vector<128x128xf32>, vector<10000x128xf32> -> vector<10000x128xf32>
    %add3A_72 = vector.broadcast %add3A_60 : vector<1x128xf32> to vector<10000x128xf32>
    %add3A_73 = arith.addf %dot_general3A_71, %add3A_72 : vector<10000x128xf32>
    %tanh3A = math.tanh %add3A_73 : vector<10000x128xf32>
    %sub3A = arith.constant 1.000000e+00 : f32
    %sub3A_74 = vector.broadcast %sub3A : f32 to vector<10000x128xf32>
    %sub3A_75 = arith.subf %sub3A_74, %logistic3A_69 : vector<10000x128xf32>
    %mul3A_76 = arith.mulf %sub3A_75, %tanh3A : vector<10000x128xf32>
    %get3A_77 = arith.constant 0 : index
    %get3A_78 = arith.constant 0 : index
    %get3A_79 = vector.load %arg11[%get3A_77, %get3A_78] : memref<128x1xf32, #tpu.memory_space<vmem>>, vector<128x1xf32>
    %dot_general3A_80 = arith.constant dense<0.000000e+00> : vector<10000x1xf32>
    %dot_general3A_81 = tpu.matmul %mul3A_76, %get3A_79, %dot_general3A_80 {dimension_numbers = #tpu.dot_dimension_numbers<[1], [0], [0], [1], [0, 0, 1, 1], [], []>, transpose_lhs_hint = false} : vector<10000x128xf32>, vector<128x1xf32>, vector<10000x1xf32> -> vector<10000x1xf32>
    %get3A_82 = arith.constant 0 : index
    %get3A_83 = arith.constant 0 : index
    %get3A_84 = vector.load %arg12[%get3A_82, %get3A_83] : memref<1x1xf32, #tpu.memory_space<vmem>>, vector<1x1xf32>
    %add3A_85 = vector.broadcast %get3A_84 : vector<1x1xf32> to vector<10000x1xf32>
    %add3A_86 = arith.addf %dot_general3A_81, %add3A_85 : vector<10000x1xf32>
    %swap3A = arith.constant 0 : index
    %swap3A_87 = arith.constant 0 : index
    %swap3A_88 = vector.load %arg13[%swap3A, %swap3A_87] : memref<10000x1xf32, #tpu.memory_space<vmem>>, vector<10000x1xf32>
    tpu.vector_store %arg13[%swap3A, %swap3A_87], %add3A_86 {strides = array<i32>} : memref<10000x1xf32, #tpu.memory_space<vmem>>, vector<10000x1xf32>,
    return
  }
}

</mosaic_0001>

<sc_bundles>
// kernel: _run.6.cloned.1.call-start
scs
__scs_entry_jumppad:
0x0: {  	(pc) =	sbr.rel $0x88, $3  }
0x1: {  	(tag) =	ssettag $0x0;
	lr =	simm.s32 $0x1  }
0x2: {  	[smem:$0x3F95] =	sst lr;
	_ =	strace $0xD0000000  }
0x3: {  	_ = 	snop  }
0x4: {  	_ = 	snop  }
0x5: {  	_ = 	snop  }
0x6: {  	_ = 	snop  }
0x7: {  	_ = 	snop  }
__scs_overlays_trampoline_lowered:
0x8: {  	[smem:$0x3FA4] =	sst s0  }
0x9: {  	[smem:$0x3FA5] =	sst s1  }
0xa: {  	[smem:$0x3FA6] =	sst s2  }
0xb: {  	[smem:$0x3FA7] =	sst s3  }
0xc: {  	[smem:$0x3FA8] =	sst s4  }
0xd: {  	[smem:$0x3FA9] =	sst s5  }
0xe: {  	[smem:$0x3FAA] =	sst s6  }
0xf: {  	[smem:$0x3FAB] =	sst s7  }
0x10: {  	[smem:$0x3FAC] =	sst s8  }
0x11: {  	[smem:$0x3FAD] =	sst s9;
	s0 =	simm.s32 @!p0 $0x0  }
0x12: {  	s1 =	sld [smem:$0x3F93];
	s0 =	simm.s32 @p0 $0x1  }
0x13: {  	[smem:$0x3FAE] =	sst s0;
	s0 =	simm.s32 @!p1 $0x0  }
0x14: {  	s2 =	sld [smem:$0x3F92];
	s0 =	simm.s32 @p1 $0x1  }
0x15: {  	[smem:$0x3FAF] =	sst s0;
	s0 =	simm.s32 @!p2 $0x0  }
0x16: {  	s3 =	sld [smem:$0x3FDB];
	s0 =	simm.s32 @p2 $0x1  }
0x17: {  	s4 =	simm.s32 $0x1BF5;
	[smem:$0x3FB1] =	sst s0  }
0x18: {  	s0 =	sld [smem:$0x3F94];
	_ =	swait.ge [sflag:s4], $0x0  }
0x19: {  	s7 =	sld [smem:$0x3F95]  }
0x1a: {  	s8 =	sadd.s32 $0xFFFFE003, lr  }
0x1b: {  	s9 =	sadd.s32 $0xFFFFFEF7, lr;
	s5 =	simm.s32 $0xFFFFFFFF;
	p2 =	slt.u32 s8, $0xFFFFF086  }
0x1c: {  	p1 =	slt.u32 s9, $0xF7A;
	s5 =	simm.s32 @!p2 $0x0  }
0x1d: {  	s5 =	simm.s32 @p1 $0x1;
	p0 =	seq.s32 s7, s2  }
0x1e: {  	s7 =	smul.u32 @!p0 $0xF7A, s2;
	p2 =	seq.s32 @!p0 s5, $0x0  }
0x1f: {  	s9 =	smul.u32 $0xF7A, s1;
	s8 =	simm.s32 @!p0 $0x1BF5;
	p2 =	por !p2, p0  }
0x20: {  	[sflag:s8] =	ssyncset.s32 @!p0 $0xFFFFF086;
	s6 =	sadd.s32 @!p0 s3, s7;
	s7 =	simm.s32 @!p0 $0x108  }
0x21: {  	s3 =	sadd.s32 s3, s9;
	s6 =	sadd.s32 @!p0 $0x88, s6;
	s7 =	simm.s32 @p2 $0x1082  }
0x22: {  	[simem:s7], [sflag:s8] =	dma.local @!p0 [hbm:s6], $0xF7A  }
0x23: {  	s9 =	sor.u32 $0xD0000000, s2;
	s6 =	simm.s32 $0x108;
	_ =	swait.ge @!p0 [sflag:s8], $0x0  }
0x24: {  	s3 =	sadd.s32 $0x88, s3;
	s6 =	simm.s32 @!p1 $0x1082;
	[sflag:s4] =	ssyncset.s32 $0xFFFFF086  }
0x25: {  	[simem:s6], [sflag:s4] =	dma.local [hbm:s3], $0xF7A  }
0x26: {  	[smem:$0x3F95] =	sst s1;
	(tag) =	ssettag s2;
	_ =	strace s9  }
0x27: {  	s1 =	sld [smem:$0x3FA5]  }
0x28: {  	s2 =	sld [smem:$0x3FA6]  }
0x29: {  	s4 =	sld [smem:$0x3FA8]  }
0x2a: {  	p0 =	seq.s32 s5, $0x0;
	s5 =	sld [smem:$0x3FA9]  }
0x2b: {  	s6 =	sld [smem:$0x3FAA]  }
0x2c: {  	s7 =	sld [smem:$0x3FAB]  }
0x2d: {  	s3 =	simm.s32 $0x108;
	s8 =	sld [smem:$0x3FAC]  }
0x2e: {  	s3 =	simm.s32 @!p0 $0x1082;
	s9 =	sld [smem:$0x3FAD]  }
0x2f: {  	lr =	sadd.s32 s0, s3;
	s0 =	sld [smem:$0x3FA4]  }
0x30: {  	s3 =	sld [smem:$0x3FA7]  }
0x31: {  	[smem:$0x3FB0] =	sst s10  }
0x32: {  	s10 =	sld [smem:$0x3FAE];
	_ =	sdelay $0x3  }
0x33: {  	p0 =	seq.s32 s10, $0x1;
	s10 =	sld [smem:$0x3FB0];
	_ =	sdelay $0x3  }
0x34: {  	[smem:$0x3FB0] =	sst s10  }
0x35: {  	s10 =	sld [smem:$0x3FAF];
	_ =	sdelay $0x3  }
0x36: {  	p1 =	seq.s32 s10, $0x1;
	s10 =	sld [smem:$0x3FB0];
	_ =	sdelay $0x3  }
0x37: {  	[smem:$0x3FB0] =	sst s10  }
0x38: {  	s10 =	sld [smem:$0x3FB1]  }
0x39: {  	_ = 	snop;
	(pc) =	sbr.ind lr, $3  }
0x3a: {  	_ = 	snop  }
0x3b: {  	_ = 	snop  }
0x3c: {  	p2 =	seq.s32 s10, $0x1;
	s10 =	sld [smem:$0x3FB0]  }
0x3d: {  	_ =	shalt  }
0x3e: {  	_ =	shalt  }
0x3f: {  	_ =	shalt  }
0x40: {  	_ =	shalt  }
0x41: {  	_ =	shalt  }
0x42: {  	_ =	shalt  }
0x43: {  	_ =	shalt  }
0x44: {  	_ =	shalt  }
0x45: {  	_ =	shalt  }
0x46: {  	_ =	shalt  }
0x47: {  	_ =	shalt  }
0x48: {  	_ =	shalt  }
0x49: {  	_ =	shalt  }
0x4a: {  	_ =	shalt  }
0x4b: {  	_ =	shalt  }
0x4c: {  	_ =	shalt  }
0x4d: {  	_ =	shalt  }
0x4e: {  	_ =	shalt  }
0x4f: {  	_ =	shalt  }
0x50: {  	_ =	shalt  }
0x51: {  	_ =	shalt  }
0x52: {  	_ =	shalt  }
0x53: {  	_ =	shalt  }
0x54: {  	_ =	shalt  }
0x55: {  	_ =	shalt  }
0x56: {  	_ =	shalt  }
0x57: {  	_ =	shalt  }
0x58: {  	_ =	shalt  }
0x59: {  	_ =	shalt  }
0x5a: {  	_ =	shalt  }
0x5b: {  	_ =	shalt  }
0x5c: {  	_ =	shalt  }
0x5d: {  	_ =	shalt  }
0x5e: {  	_ =	shalt  }
0x5f: {  	_ =	shalt  }
0x60: {  	_ =	shalt  }
0x61: {  	_ =	shalt  }
0x62: {  	_ =	shalt  }
0x63: {  	_ =	shalt  }
0x64: {  	_ =	shalt  }
0x65: {  	_ =	shalt  }
0x66: {  	_ =	shalt  }
0x67: {  	_ =	shalt  }
0x68: {  	_ =	shalt  }
0x69: {  	_ =	shalt  }
0x6a: {  	_ =	shalt  }
0x6b: {  	_ =	shalt  }
0x6c: {  	_ =	shalt  }
0x6d: {  	_ =	shalt  }
0x6e: {  	_ =	shalt  }
0x6f: {  	_ =	shalt  }
0x70: {  	_ =	shalt  }
0x71: {  	_ =	shalt  }
0x72: {  	_ =	shalt  }
0x73: {  	_ =	shalt  }
0x74: {  	_ =	shalt  }
0x75: {  	_ =	shalt  }
0x76: {  	_ =	shalt  }
0x77: {  	_ =	shalt  }
0x78: {  	_ =	shalt  }
0x79: {  	_ =	shalt  }
0x7a: {  	_ =	shalt  }
0x7b: {  	_ =	shalt  }
0x7c: {  	_ =	shalt  }
0x7d: {  	_ =	shalt  }
0x7e: {  	_ =	shalt  }
0x7f: {  	_ =	shalt  }
0x80: {  	_ =	shalt  }
0x81: {  	_ =	shalt  }
0x82: {  	_ =	shalt  }
0x83: {  	_ =	shalt  }
0x84: {  	_ =	shalt  }
0x85: {  	_ =	shalt  }
0x86: {  	_ =	shalt  }
0x87: {  	_ =	shalt  }
.Lfunc_end0:
.L_simem_size_0:
called_computation_lowered:
.L_overlay_start_0:
0x88: {  	s2 =	sld [smem:$0x3FD9]  }
0x89: {  	s3 =	sld [smem:$0x3FFE];
	_ =	sdelay $0x1  }
0x8a: {  	s1 =	srdreg.scid  }
0x8b: {  	s0 =	sand.u32 $0x1, s1  }
0x8c: {  	s17 =	sshll.u32 s0, $0xA;
	s2 =	sadd.s32 s3, s2  }
0x8d: {  	s2 =	sadd.s32 s2, s17  }
0x8e: {  	[smem:$0x3FBC] =	sst s2  }
0x8f: {  	_ = 	snop  }
0x90: {  	s2 =	sld [smem:$0x3FD0];
	(tm) =	ssettm $0x1  }
0x91: {  	s18 =	sld [smem:$0x3FFB];
	_ =	sdelay $0x3  }
0x92: {  	_ =	strace s18  }
0x93: {  	s3 =	sld [smem:$0x3FFC];
	_ =	sdelay $0x3  }
0x94: {  	_ =	strace s3  }
0x95: {  	s3 =	sld [smem:$0x3FFD];
	_ =	sdelay $0x3  }
0x96: {  	_ =	strace s3  }
0x97: {  	_ =	strace $0x8FFFFFFF  }
0x98: {  	s19 =	sld [smem:$0x3FDB];
	_ =	sdelay $0x1  }
0x99: {  	s4 =	simm.s32 $_scs_section_size  }
0x9a: {  	s5 =	simm.s32 $_size__tile_overlayer_lowered;
	s6 =	simm.s32 $_tile_overlayer_lowered  }
0x9b: {  	s22 =	simm.s32 $0x1BFF;
	s21 =	sshll.u32 s6, $0x1;
	s3 =	sadd.s32 s4, s19  }
0x9c: {  	s7 =	simm.s32 $0x0;
	s20 =	sshll.u32 s5, $0x1;
	s5 =	sadd.s32 s21, s3  }
0x9d: {  	[timem:s7], [sflag:s22] =	dma.local [hbm:s5], s20  }
0x9e: {  	_ =	swait.ge [sflag:s22], s20  }
0x9f: {  	s4 =	ssub.s32 $0x0, s20;
	[sflag:s22] =	ssyncset.done $0x0  }
0xa0: {  	[sflag:s22] =	ssyncadd.s32 s4;
	_ =	sdelay $0x1  }
0xa1: {  	s23 =	simm.s32 $0x1B8B  }
0xa2: {  	_ =	swait.ge [sflag:s23], $0x1  }
0xa3: {  	[sflag:s23] =	ssyncset.done $0x0  }
0xa4: {  	s25 =	simm.s32 $0x1B8E;
	s24 =	sld [smem:$0x3FFE];
	[sflag:s23] =	ssyncadd.s32 $0xFFFFFFFF  }
0xa5: {  	s26 =	simm.s32 $execute0_lowered;
	[smem:$0x3FD2] =	sst s25  }
0xa6: {  	s5 =	sshll.u32 s26, $0x1;
	_ =	strace $0x80000046;
	[dreg:$0x1] =	wrdreg $0xFFFFFFFF  }
0xa7: {  	s28 =	simm.s32 $_size_execute0_lowered;
	s3 =	sadd.s32 s3, s5;
	[dreg:$0x0] =	wrdreg $0x0  }
0xa8: {  	s5 =	sshll.u32 s28, $0x1;
	[dreg:$0x2] =	wrdreg s3  }
0xa9: {  	[dreg:$0x3] =	wrdreg s5  }
0xaa: {  	[dreg:$0x4] =	wrdreg $0xC0  }
0xab: {  	_ =	task [dreg:s7], $0x5FFFF  }
0xac: {  	[dreg:$0x1] =	wrdreg $0xFFFFFFFF  }
0xad: {  	[dreg:$0x0] =	wrdreg $0x60  }
0xae: {  	[dreg:$0x2] =	wrdreg s24  }
0xaf: {  	[dreg:$0x3] =	wrdreg s2  }
0xb0: {  	[dreg:$0x4] =	wrdreg $0x30000  }
0xb1: {  	[dreg:$0x5] =	wrdreg $0x9  }
0xb2: {  	_ =	task.clear_ibuf [dreg:s7], $0x6FFFF;
	_ =	strace $0x90000046  }
0xb3: {  	s29 =	simm.s32 $0x9;
	_ =	strace $0x80000048  }
0xb4: {  	_ =	swait.ge [sflag:s29], $0x1  }
0xb5: {  	[sflag:s29] =	ssyncadd.s32 $0xFFFFFFFF  }
0xb6: {  	_ =	strace $0x90000048  }
0xb7: {  	_ =	sfence  }
0xb8: {  	s30 =	sld [smem:$0x0];
	_ =	sdelay $0x2  }
0xb9: {  	s31 =	sshll.u32 s1, $0xD;
	s1 =	sshrl.u32 s1, $0x2  }
0xba: {  	s3 =	sand.u32 $0x4000, s31;
	s1 =	sadd.s32 s1, s30  }
0xbb: {  	s0 =	sor.u32 s3, s0;
	s1 =	sshll.u32 s1, $0x11  }
0xbc: {  	s0 =	sor.u32 s1, s0  }
0xbd: {  	s0 =	sadd.s32 $0x8F2B, s0  }
0xbe: {  	[sflag:s0] =	ssyncadd.remote.s32 $0x1  }
0xbf: {  	_ =	sfence.sel $0xFFFF  }
0xc0: {  	[dreg:$0x0] =	wrdreg $0xFFFFFFFF;
	(pc) =	sbr.abs _section_cstart, $3  }
0xc1: {  	[dreg:$0x1] =	wrdreg $0xFFFFFFFF  }
0xc2: {  	_ =	task.clear_ibuf [dreg:s7], $0x2FFFF;
	_ =	strace $0x9FFFFFFF  }
0xc3: {  	(tm) =	ssettm $0x7FFFFFFF  }
tec
execute0_lowered:
.L_overlay_start_1:
0x0: {  	(tag) =	ssettag $0x1  }
0x1: {  	s6 =	rddreg [dreg:$0x0]  }
0x2: {  	s2 =	rddreg [dreg:$0x1]  }
0x3: {  	s3 =	rddreg [dreg:$0x2]  }
0x4: {  	s0 =	rddreg [dreg:$0x3]  }
0x5: {  	s1 =	stileid.u32;
	s7 =	srdreg.scid;
	s4 =	simm.s32 $0x0  }
0x6: {  	s13 =	simm.s32 $0x80;
	s14 =	simm.s32 $0x0;
	s5 =	smul.u32 $0x2800, s1  }
0x7: {  	s7 =	sand.u32 $0x1, s7;
	s8 =	smul.u32 $0x500, s1;
	[smem:$0x7FF] =	sst s4  }
0x8: {  	s10 =	sshll.u32 s1, $0x1;
	s31 =	sshll.u32 s1, $0x6;
	s9 =	smul.u32 $0x5000, s7  }
0x9: {  	_ =	strace $0x80000047;
	s10 =	sor.u32 s7, s10;
	s7 =	ssub.s32 $0x2, s7  }
0xa: {  	s11 =	sshrl.u32 s5, $0x3;
	s26 =	smul.u32 $0x2710, s10;
	s29 =	sshrl.u32 s7, $0x1  }
0xb: {  	s12 =	sadd.s32 s5, s3;
	s8 =	sadd.s32 s8, s9;
	s28 =	sadd.s32 s11, s6  }
0xc: {  	s11 =	ssub.s32 s7, s29;
	s10 =	sshrl.u32 s12, $0x3;
	s12 =	simm.s32 $0x2800  }
0xd: {  	s8 =	sadd.s32 s8, s6;
	s30 =	sshrl.u32 s26, $0x3;
	s5 =	sadd.s32 $0x15C00, s28  }
0xe: {  	s9 =	smax.u32 s11, $0x1;
	s11 =	simm.s32 $0x1;
	s7 =	sadd.s32 s6, s30  }
0xf: {  	v0 =	vimm.s32 $0x2710;
	s6 =	sor.u32 $0x1C01, s31;
	s8 =	sadd.s32 $0x1AC00, s8;
	s7 =	sadd.s32 $0xBE40, s7  }
.LBB2_1:
0x10: {  	[spmem:s10], [sflag:s6] =	dma.local [hbm:s5], $0x500  }
0x11: {  	_ =	swait.ge [sflag:s11], $0x500  }
0x12: {  	[sflag:s11] =	ssyncset.done $0x0  }
0x13: {  	[sflag:s11] =	ssyncadd.s32 $0xFFFFFB00  }
0x14: {  	[tilespmem:$0x2710] =	vst v0  }
0x15: {  	[tilespmem:$0x2720] =	vst v0  }
0x16: {  	[tilespmem:$0x2730] =	vst v0  }
0x17: {  	[tilespmem:$0x2740] =	vst v0  }
0x18: {  	[tilespmem:$0x2750] =	vst v0  }
0x19: {  	[tilespmem:$0x2760] =	vst v0  }
0x1a: {  	[tilespmem:$0x2770] =	vst v0  }
0x1b: {  	[tilespmem:$0x2780] =	vst v0  }
0x1c: {  	[tilespmem:$0x2790] =	vst v0  }
0x1d: {  	[tilespmem:$0x27A0] =	vst v0  }
0x1e: {  	[tilespmem:$0x27B0] =	vst v0  }
0x1f: {  	[tilespmem:$0x27C0] =	vst v0  }
0x20: {  	[tilespmem:$0x27D0] =	vst v0  }
0x21: {  	[tilespmem:$0x27E0] =	vst v0  }
0x22: {  	[tilespmem:$0x27F0] =	vst v0  }
0x23: {  	[tilespmem:s4], [sflag:$0x1] =	stream.linear.gather [hbm4b:s7+s4], $0x2710, $0x38;
	[tilespmem:$0x5800] =	vst v63  }
0x24: {  	_ =	swait.ge [sflag:s11], $0x2710  }
0x25: {  	[sflag:s11] =	ssyncset.done $0x0  }
0x26: {  	[sflag:s11] =	ssyncadd.s32 $0xFFFFD8F0  }
0x27: {  	[tilespmem:s12], [sflag:$0x1] =	stream.linear.gather [hbm4b:s2+s4], $0x800, $0x38;
	[tilespmem:$0x5800] =	vst v63  }
0x28: {  	_ =	swait.ge [sflag:s11], $0x800  }
0x29: {  	[sflag:s11] =	ssyncset.done $0x0  }
0x2a: {  	[sflag:s11] =	ssyncadd.s32 $0xFFFFF800  }
0x2b: {  	s15 =	simm.s32 $0x0;
	[bflag:$0x0] =	sbarrier.arrive $0xFFFF  }
0x2c: {  	[spmem:s3] =	stream.indirect.scatter.add.f32 [tilespmem:s12], [sflag:$0x1], $0x10, s15, s13, $0xb8;
	[tilespmem:$0x5800] =	vst v63  }
0x2d: {  	_ =	swait.ge [sflag:s11], $0x800  }
0x2e: {  	s15 =	simm.s32 $0x200;
	[sflag:s11] =	ssyncset.done $0x0  }
.LBB2_2:
0x2f: {  	s16 =	sshra.s32 s15, $0x2;
	[sflag:s11] =	ssyncadd.s32 $0xFFFFF800;
	p0 =	sne.s32 s15, $0x9E00  }
0x30: {  	[spmem:s3] =	stream.indirect.scatter.add.f32 [tilespmem:s12], [sflag:$0x1], $0x10, s16, s13, $0xb8;
	[tilespmem:$0x5800] =	vst v63  }
.Ltmp0:
0x31: {  	_ = 	snop;
	(pc) =	sbr.rel @p0 .LBB2_2-.Ltmp0, $4  }
0x32: {  	_ = 	snop  }
0x33: {  	s15 =	sadd.s32 $0x200, s15  }
0x34: {  	_ =	swait.ge [sflag:s11], $0x800  }
0x35: {  	[sflag:s11] =	ssyncset.done $0x0  }
0x36: {  	s14 =	sadd.s32 $0x1, s14  }
0x37: {  	[sflag:s11] =	ssyncadd.s32 $0xFFFFF800;
	p0 =	sne.s32 s14, s9  }
.Ltmp1:
0x38: {  	[bflag:$0x0] =	sbarrier.arrive $0xFFFF;
	(pc) =	sbr.rel @p0 .LBB2_1-.Ltmp1, $4  }
0x39: {  	[hbm:s8], [sflag:s6] =	dma.local [spmem:s10], $0x500  }
0x3a: {  	_ =	swait.ge [sflag:s11], $0x500  }
0x3b: {  	[sflag:s11] =	ssyncset.done $0x0  }
0x3c: {  	[sflag:s11] =	ssyncadd.s32 $0xFFFFFB00  }
0x3d: {  	_ =	sfence.sel $0x180000  }
0x3e: {  	[bflag:$0x0] =	sbarrier.arrive $0xFFFF  }
0x3f: {  	p0 =	sne.s32 s1, $0x0;
	_ =	strace $0x90000047  }
0x40: {  	s0 =	sadd.s32 @!p0 $0x100000, s0;
	[bflag:$0x2] =	sbarrier.arrive $0xFFFF  }
0x41: {  	[sflag:s0] =	ssyncadd.tile.s32 @!p0 $0x1;
	_ =	shalt  }
.Lfunc_end2:
_tile_overlayer_lowered:
.L_overlay_start_2:
0x42: {  	(tag) =	ssettag $0x2  }
0x43: {  	s0 =	rddreg [dreg:$0x0];
	s2 =	stileid.u32  }
0x44: {  	s1 =	rddreg [dreg:$0x1];
	p0 =	sne.s32 s2, $0x0  }
0x45: {  	s3 =	rddreg [dreg:$0x2];
	[bflag:$0x3] =	sbarrier.arrive $0xFFFF;
	s2 =	simm.s32 @!p0 $0x1C01  }
0x46: {  	[timem:s3], [sflag:s2] =	dma.local @!p0 [hbm:s0], s1  }
0x47: {  	s0 =	simm.s32 @!p0 $0x1  }
0x48: {  	_ =	swait.ge @!p0 [sflag:s0], s1  }
0x49: {  	s1 =	ssub.s32 @!p0 $0x0, s1;
	[sflag:s0] =	ssyncset.done @!p0 $0x0  }
0x4a: {  	[sflag:s0] =	ssyncadd.s32 @!p0 s1  }
0x4b: {  	[bflag:$0x3] =	sbarrier.arrive $0xFFFF  }
0x4c: {  	_ =	shalt  }

// kernel: _run.9.cloned.1.call-start
scs
__scs_entry_jumppad:
0x0: {  	(pc) =	sbr.rel $0x88, $3  }
0x1: {  	(tag) =	ssettag $0x0;
	lr =	simm.s32 $0x1  }
0x2: {  	[smem:$0x3F95] =	sst lr;
	_ =	strace $0xD0000000  }
0x3: {  	_ = 	snop  }
0x4: {  	_ = 	snop  }
0x5: {  	_ = 	snop  }
0x6: {  	_ = 	snop  }
0x7: {  	_ = 	snop  }
__scs_overlays_trampoline_lowered:
0x8: {  	[smem:$0x3FA4] =	sst s0  }
0x9: {  	[smem:$0x3FA5] =	sst s1  }
0xa: {  	[smem:$0x3FA6] =	sst s2  }
0xb: {  	[smem:$0x3FA7] =	sst s3  }
0xc: {  	[smem:$0x3FA8] =	sst s4  }
0xd: {  	[smem:$0x3FA9] =	sst s5  }
0xe: {  	[smem:$0x3FAA] =	sst s6  }
0xf: {  	[smem:$0x3FAB] =	sst s7  }
0x10: {  	[smem:$0x3FAC] =	sst s8  }
0x11: {  	[smem:$0x3FAD] =	sst s9;
	s0 =	simm.s32 @!p0 $0x0  }
0x12: {  	s1 =	sld [smem:$0x3F93];
	s0 =	simm.s32 @p0 $0x1  }
0x13: {  	[smem:$0x3FAE] =	sst s0;
	s0 =	simm.s32 @!p1 $0x0  }
0x14: {  	s2 =	sld [smem:$0x3F92];
	s0 =	simm.s32 @p1 $0x1  }
0x15: {  	[smem:$0x3FAF] =	sst s0;
	s0 =	simm.s32 @!p2 $0x0  }
0x16: {  	s3 =	sld [smem:$0x3FDB];
	s0 =	simm.s32 @p2 $0x1  }
0x17: {  	s4 =	simm.s32 $0x1BF5;
	[smem:$0x3FB1] =	sst s0  }
0x18: {  	s0 =	sld [smem:$0x3F94];
	_ =	swait.ge [sflag:s4], $0x0  }
0x19: {  	s7 =	sld [smem:$0x3F95]  }
0x1a: {  	s8 =	sadd.s32 $0xFFFFE003, lr  }
0x1b: {  	s9 =	sadd.s32 $0xFFFFFEF7, lr;
	s5 =	simm.s32 $0xFFFFFFFF;
	p2 =	slt.u32 s8, $0xFFFFF086  }
0x1c: {  	p1 =	slt.u32 s9, $0xF7A;
	s5 =	simm.s32 @!p2 $0x0  }
0x1d: {  	s5 =	simm.s32 @p1 $0x1;
	p0 =	seq.s32 s7, s2  }
0x1e: {  	s7 =	smul.u32 @!p0 $0xF7A, s2;
	p2 =	seq.s32 @!p0 s5, $0x0  }
0x1f: {  	s9 =	smul.u32 $0xF7A, s1;
	s8 =	simm.s32 @!p0 $0x1BF5;
	p2 =	por !p2, p0  }
0x20: {  	[sflag:s8] =	ssyncset.s32 @!p0 $0xFFFFF086;
	s6 =	sadd.s32 @!p0 s3, s7;
	s7 =	simm.s32 @!p0 $0x108  }
0x21: {  	s3 =	sadd.s32 s3, s9;
	s6 =	sadd.s32 @!p0 $0x88, s6;
	s7 =	simm.s32 @p2 $0x1082  }
0x22: {  	[simem:s7], [sflag:s8] =	dma.local @!p0 [hbm:s6], $0xF7A  }
0x23: {  	s9 =	sor.u32 $0xD0000000, s2;
	s6 =	simm.s32 $0x108;
	_ =	swait.ge @!p0 [sflag:s8], $0x0  }
0x24: {  	s3 =	sadd.s32 $0x88, s3;
	s6 =	simm.s32 @!p1 $0x1082;
	[sflag:s4] =	ssyncset.s32 $0xFFFFF086  }
0x25: {  	[simem:s6], [sflag:s4] =	dma.local [hbm:s3], $0xF7A  }
0x26: {  	[smem:$0x3F95] =	sst s1;
	(tag) =	ssettag s2;
	_ =	strace s9  }
0x27: {  	s1 =	sld [smem:$0x3FA5]  }
0x28: {  	s2 =	sld [smem:$0x3FA6]  }
0x29: {  	s4 =	sld [smem:$0x3FA8]  }
0x2a: {  	p0 =	seq.s32 s5, $0x0;
	s5 =	sld [smem:$0x3FA9]  }
0x2b: {  	s6 =	sld [smem:$0x3FAA]  }
0x2c: {  	s7 =	sld [smem:$0x3FAB]  }
0x2d: {  	s3 =	simm.s32 $0x108;
	s8 =	sld [smem:$0x3FAC]  }
0x2e: {  	s3 =	simm.s32 @!p0 $0x1082;
	s9 =	sld [smem:$0x3FAD]  }
0x2f: {  	lr =	sadd.s32 s0, s3;
	s0 =	sld [smem:$0x3FA4]  }
0x30: {  	s3 =	sld [smem:$0x3FA7]  }
0x31: {  	[smem:$0x3FB0] =	sst s10  }
0x32: {  	s10 =	sld [smem:$0x3FAE];
	_ =	sdelay $0x3  }
0x33: {  	p0 =	seq.s32 s10, $0x1;
	s10 =	sld [smem:$0x3FB0];
	_ =	sdelay $0x3  }
0x34: {  	[smem:$0x3FB0] =	sst s10  }
0x35: {  	s10 =	sld [smem:$0x3FAF];
	_ =	sdelay $0x3  }
0x36: {  	p1 =	seq.s32 s10, $0x1;
	s10 =	sld [smem:$0x3FB0];
	_ =	sdelay $0x3  }
0x37: {  	[smem:$0x3FB0] =	sst s10  }
0x38: {  	s10 =	sld [smem:$0x3FB1]  }
0x39: {  	_ = 	snop;
	(pc) =	sbr.ind lr, $3  }
0x3a: {  	_ = 	snop  }
0x3b: {  	_ = 	snop  }
0x3c: {  	p2 =	seq.s32 s10, $0x1;
	s10 =	sld [smem:$0x3FB0]  }
0x3d: {  	_ =	shalt  }
0x3e: {  	_ =	shalt  }
0x3f: {  	_ =	shalt  }
0x40: {  	_ =	shalt  }
0x41: {  	_ =	shalt  }
0x42: {  	_ =	shalt  }
0x43: {  	_ =	shalt  }
0x44: {  	_ =	shalt  }
0x45: {  	_ =	shalt  }
0x46: {  	_ =	shalt  }
0x47: {  	_ =	shalt  }
0x48: {  	_ =	shalt  }
0x49: {  	_ =	shalt  }
0x4a: {  	_ =	shalt  }
0x4b: {  	_ =	shalt  }
0x4c: {  	_ =	shalt  }
0x4d: {  	_ =	shalt  }
0x4e: {  	_ =	shalt  }
0x4f: {  	_ =	shalt  }
0x50: {  	_ =	shalt  }
0x51: {  	_ =	shalt  }
0x52: {  	_ =	shalt  }
0x53: {  	_ =	shalt  }
0x54: {  	_ =	shalt  }
0x55: {  	_ =	shalt  }
0x56: {  	_ =	shalt  }
0x57: {  	_ =	shalt  }
0x58: {  	_ =	shalt  }
0x59: {  	_ =	shalt  }
0x5a: {  	_ =	shalt  }
0x5b: {  	_ =	shalt  }
0x5c: {  	_ =	shalt  }
0x5d: {  	_ =	shalt  }
0x5e: {  	_ =	shalt  }
0x5f: {  	_ =	shalt  }
0x60: {  	_ =	shalt  }
0x61: {  	_ =	shalt  }
0x62: {  	_ =	shalt  }
0x63: {  	_ =	shalt  }
0x64: {  	_ =	shalt  }
0x65: {  	_ =	shalt  }
0x66: {  	_ =	shalt  }
0x67: {  	_ =	shalt  }
0x68: {  	_ =	shalt  }
0x69: {  	_ =	shalt  }
0x6a: {  	_ =	shalt  }
0x6b: {  	_ =	shalt  }
0x6c: {  	_ =	shalt  }
0x6d: {  	_ =	shalt  }
0x6e: {  	_ =	shalt  }
0x6f: {  	_ =	shalt  }
0x70: {  	_ =	shalt  }
0x71: {  	_ =	shalt  }
0x72: {  	_ =	shalt  }
0x73: {  	_ =	shalt  }
0x74: {  	_ =	shalt  }
0x75: {  	_ =	shalt  }
0x76: {  	_ =	shalt  }
0x77: {  	_ =	shalt  }
0x78: {  	_ =	shalt  }
0x79: {  	_ =	shalt  }
0x7a: {  	_ =	shalt  }
0x7b: {  	_ =	shalt  }
0x7c: {  	_ =	shalt  }
0x7d: {  	_ =	shalt  }
0x7e: {  	_ =	shalt  }
0x7f: {  	_ =	shalt  }
0x80: {  	_ =	shalt  }
0x81: {  	_ =	shalt  }
0x82: {  	_ =	shalt  }
0x83: {  	_ =	shalt  }
0x84: {  	_ =	shalt  }
0x85: {  	_ =	shalt  }
0x86: {  	_ =	shalt  }
0x87: {  	_ =	shalt  }
.Lfunc_end0:
.L_simem_size_0:
called_computation.1_lowered:
.L_overlay_start_0:
0x88: {  	s2 =	sld [smem:$0x3FD9]  }
0x89: {  	s3 =	sld [smem:$0x3FFE];
	_ =	sdelay $0x1  }
0x8a: {  	s1 =	srdreg.scid  }
0x8b: {  	s0 =	sand.u32 $0x1, s1  }
0x8c: {  	s16 =	sshll.u32 s0, $0xA;
	s2 =	sadd.s32 s3, s2  }
0x8d: {  	s2 =	sadd.s32 s2, s16  }
0x8e: {  	[smem:$0x3FBC] =	sst s2  }
0x8f: {  	_ = 	snop  }
0x90: {  	(tm) =	ssettm $0x1  }
0x91: {  	s17 =	sld [smem:$0x3FFB];
	_ =	sdelay $0x3  }
0x92: {  	_ =	strace s17  }
0x93: {  	s2 =	sld [smem:$0x3FFC];
	_ =	sdelay $0x3  }
0x94: {  	_ =	strace s2  }
0x95: {  	s2 =	sld [smem:$0x3FFD];
	_ =	sdelay $0x3  }
0x96: {  	_ =	strace s2  }
0x97: {  	_ =	strace $0x8FFFFFFF  }
0x98: {  	s18 =	sld [smem:$0x3FDB];
	_ =	sdelay $0x1  }
0x99: {  	s19 =	simm.s32 $_scs_section_size  }
0x9a: {  	s4 =	simm.s32 $_size__tile_overlayer_lowered;
	s5 =	simm.s32 $_tile_overlayer_lowered  }
0x9b: {  	s22 =	simm.s32 $0x1BFF;
	s21 =	sshll.u32 s5, $0x1;
	s2 =	sadd.s32 s19, s18  }
0x9c: {  	s6 =	simm.s32 $0x0;
	s20 =	sshll.u32 s4, $0x1;
	s4 =	sadd.s32 s21, s2  }
0x9d: {  	[timem:s6], [sflag:s22] =	dma.local [hbm:s4], s20  }
0x9e: {  	_ =	swait.ge [sflag:s22], s20  }
0x9f: {  	s3 =	ssub.s32 $0x0, s20;
	[sflag:s22] =	ssyncset.done $0x0  }
0xa0: {  	[sflag:s22] =	ssyncadd.s32 s3;
	_ =	sdelay $0x1  }
0xa1: {  	s23 =	simm.s32 $0x1B8B  }
0xa2: {  	_ =	swait.ge [sflag:s23], $0x1  }
0xa3: {  	[sflag:s23] =	ssyncset.done $0x0  }
0xa4: {  	s25 =	simm.s32 $0x1B8E;
	s24 =	sld [smem:$0x3FFE];
	[sflag:s23] =	ssyncadd.s32 $0xFFFFFFFF  }
0xa5: {  	s26 =	simm.s32 $execute0_lowered;
	[smem:$0x3FD2] =	sst s25  }
0xa6: {  	s4 =	sshll.u32 s26, $0x1;
	_ =	strace $0x80000049;
	[dreg:$0x1] =	wrdreg $0xFFFFFFFF  }
0xa7: {  	s28 =	simm.s32 $_size_execute0_lowered;
	s2 =	sadd.s32 s2, s4;
	[dreg:$0x0] =	wrdreg $0x0  }
0xa8: {  	s4 =	sshll.u32 s28, $0x1;
	[dreg:$0x2] =	wrdreg s2  }
0xa9: {  	[dreg:$0x3] =	wrdreg s4  }
0xaa: {  	[dreg:$0x4] =	wrdreg $0xC0  }
0xab: {  	_ =	task [dreg:s6], $0x5FFFF  }
0xac: {  	[dreg:$0x1] =	wrdreg $0xFFFFFFFF  }
0xad: {  	[dreg:$0x0] =	wrdreg $0x60  }
0xae: {  	[dreg:$0x2] =	wrdreg s24  }
0xaf: {  	[dreg:$0x3] =	wrdreg $0x42000  }
0xb0: {  	[dreg:$0x4] =	wrdreg $0xE2000  }
0xb1: {  	[dreg:$0x5] =	wrdreg $0x9  }
0xb2: {  	_ =	task.clear_ibuf [dreg:s6], $0x6FFFF;
	_ =	strace $0x90000049  }
0xb3: {  	s29 =	simm.s32 $0x9;
	_ =	strace $0x8000004B  }
0xb4: {  	_ =	swait.ge [sflag:s29], $0x1  }
0xb5: {  	[sflag:s29] =	ssyncadd.s32 $0xFFFFFFFF  }
0xb6: {  	_ =	strace $0x9000004B  }
0xb7: {  	_ =	sfence  }
0xb8: {  	s30 =	sld [smem:$0x0];
	_ =	sdelay $0x2  }
0xb9: {  	s31 =	sshll.u32 s1, $0xD;
	s1 =	sshrl.u32 s1, $0x2  }
0xba: {  	s3 =	sand.u32 $0x4000, s31;
	s1 =	sadd.s32 s1, s30  }
0xbb: {  	s0 =	sor.u32 s3, s0;
	s1 =	sshll.u32 s1, $0x11  }
0xbc: {  	s0 =	sor.u32 s1, s0  }
0xbd: {  	s0 =	sadd.s32 $0x8F2B, s0  }
0xbe: {  	[sflag:s0] =	ssyncadd.remote.s32 $0x1  }
0xbf: {  	_ =	sfence.sel $0xFFFF  }
0xc0: {  	[dreg:$0x0] =	wrdreg $0xFFFFFFFF;
	(pc) =	sbr.abs _section_cstart, $3  }
0xc1: {  	[dreg:$0x1] =	wrdreg $0xFFFFFFFF  }
0xc2: {  	_ =	task.clear_ibuf [dreg:s6], $0x2FFFF;
	_ =	strace $0x9FFFFFFF  }
0xc3: {  	(tm) =	ssettm $0x7FFFFFFF  }
tec
execute0_lowered:
.L_overlay_start_1:
0x0: {  	(tag) =	ssettag $0x1  }
0x1: {  	s5 =	rddreg [dreg:$0x0]  }
0x2: {  	s2 =	rddreg [dreg:$0x1]  }
0x3: {  	s3 =	rddreg [dreg:$0x2]  }
0x4: {  	s0 =	rddreg [dreg:$0x3]  }
0x5: {  	s1 =	stileid.u32;
	s7 =	srdreg.scid;
	s4 =	simm.s32 $0x0  }
0x6: {  	s14 =	simm.s32 $0x8;
	s15 =	simm.s32 $0x10;
	s16 =	simm.s32 $0x3  }
0x7: {  	s18 =	simm.s32 $0x80;
	s19 =	simm.s32 $0x200;
	s20 =	simm.s32 $0x100  }
0x8: {  	s21 =	simm.s32 $0x2200;
	s22 =	simm.s32 $0x2;
	s6 =	smul.u32 $0x1400, s1  }
0x9: {  	s23 =	simm.s32 $0x180;
	s24 =	simm.s32 $0x0;
	s8 =	smul.u32 $0x14000, s1  }
0xa: {  	s7 =	sand.u32 $0x1, s7;
	[smem:$0x7FF] =	sst s4;
	s9 =	smul.u32 $0xA000, s1  }
0xb: {  	s31 =	sshll.u32 s1, $0x6;
	s10 =	sshll.u32 s7, $0x6;
	_ =	strace $0x8000004A  }
0xc: {  	s7 =	ssub.s32 $0x2, s7;
	s11 =	sadd.s32 s6, s5;
	s26 =	sor.u32 s10, s8  }
0xd: {  	s28 =	sshrl.u32 s9, $0x3;
	s30 =	sshrl.u32 s7, $0x1;
	s13 =	sadd.s32 s9, s2  }
0xe: {  	s17 =	sadd.s32 s9, s3;
	s6 =	sshrl.u32 s26, $0x3;
	s8 =	sadd.s32 s28, s5  }
0xf: {  	s12 =	ssub.s32 s7, s30;
	s17 =	sshrl.u32 s17, $0x3;
	s29 =	sadd.s32 s6, s5  }
0x10: {  	s6 =	sor.u32 $0x1C03, s31;
	s7 =	sadd.s32 $0x2200, s8;
	s8 =	sadd.s32 $0x24C00, s11  }
0x11: {  	s10 =	smax.u32 s12, $0x1;
	s11 =	sadd.s32 $0x25FE0, s11;
	s12 =	sshrl.u32 s13, $0x3  }
0x12: {  	s13 =	simm.s32 $0x1;
	s5 =	sadd.s32 $0x88C00, s29;
	s9 =	sadd.s32 $0xB0C00, s29  }
.LBB2_1:
0x13: {  	[spmem:s12@s14], [sflag:s6] =	dma.strided [hbm:s5@s15], $0x1400, s13, $0x8   }
0x14: {  	_ =	swait.ge [sflag:s16], $0x1400  }
0x15: {  	[sflag:s16] =	ssyncset.done $0x0  }
0x16: {  	[sflag:s16] =	ssyncadd.s32 $0xFFFFEC00  }
0x17: {  	[spmem:s17], [sflag:s6] =	dma.local [hbm:s7], $0x1400  }
0x18: {  	_ =	swait.ge [sflag:s16], $0x1400  }
0x19: {  	[sflag:s16] =	ssyncset.done $0x0  }
0x1a: {  	[sflag:s16] =	ssyncadd.s32 $0xFFFFEC00  }
0x1b: {  	[bflag:$0x0] =	sbarrier.arrive $0xFFFF  }
0x1c: {  	[tilespmem:s4], [sflag:$0x3] =	stream.linear.gather [hbm4b:s8+s4], $0x100, $0x38;
	[tilespmem:$0x18200] =	vst v63  }
0x1d: {  	_ =	swait.ge [sflag:s16], $0x100  }
0x1e: {  	[sflag:s16] =	ssyncset.done $0x0  }
0x1f: {  	s25 =	sadd.s32 $0xFFFFEC40, s8;
	[sflag:s16] =	ssyncadd.s32 $0xFFFFFF00  }
0x20: {  	[tilespmem:s19], [sflag:$0x1] =	stream.indirect.gather [spmem:s2], $0x40, s4, s18, $0xb8;
	[tilespmem:$0x18200] =	vst v63  }
0x21: {  	s26 =	sadd.s32 $0x13E0, s25  }
0x22: {  	[tilespmem:s20], [sflag:$0x3] =	stream.linear.gather [hbm4b:s26+s4], $0x100, $0x38;
	[tilespmem:$0x18200] =	vst v63  }
0x23: {  	_ =	swait.ge [sflag:s16], $0x100  }
0x24: {  	[sflag:s16] =	ssyncset.done $0x0  }
0x25: {  	[sflag:s16] =	ssyncadd.s32 $0xFFFFFF00  }
0x26: {  	[tilespmem:s21], [sflag:$0x2] =	stream.indirect.gather [spmem:s2], $0x40, s20, s18, $0xb8;
	[tilespmem:$0x18200] =	vst v63  }
0x27: {  	_ =	swait.ge [sflag:s13], $0x2000  }
0x28: {  	[sflag:s13] =	ssyncset.done $0x0  }
0x29: {  	[sflag:s13] =	ssyncadd.s32 $0xFFFFE000  }
0x2a: {  	[spmem:s3] =	stream.indirect.scatter.add.f32 [tilespmem:s19], [sflag:$0x3], $0x40, s18, s18, $0xb8;
	[tilespmem:$0x18200] =	vst v63  }
0x2b: {  	_ =	swait.ge [sflag:s16], $0x2000  }
0x2c: {  	[sflag:s16] =	ssyncset.done $0x0  }
0x2d: {  	s25 =	sadd.s32 $0x1400, s25;
	[sflag:s16] =	ssyncadd.s32 $0xFFFFE000  }
0x2e: {  	[tilespmem:s4], [sflag:$0x3] =	stream.linear.gather [hbm4b:s25+s4], $0x100, $0x38;
	[tilespmem:$0x18200] =	vst v63  }
0x2f: {  	_ =	swait.ge [sflag:s16], $0x100  }
0x30: {  	[sflag:s16] =	ssyncset.done $0x0  }
0x31: {  	[sflag:s16] =	ssyncadd.s32 $0xFFFFFF00  }
0x32: {  	[tilespmem:s19], [sflag:$0x1] =	stream.indirect.gather [spmem:s2], $0x40, s4, s18, $0xb8;
	[tilespmem:$0x18200] =	vst v63  }
0x33: {  	_ =	swait.ge [sflag:s22], $0x2000  }
0x34: {  	[sflag:s22] =	ssyncset.done $0x0  }
0x35: {  	[sflag:s22] =	ssyncadd.s32 $0xFFFFE000  }
0x36: {  	[spmem:s3] =	stream.indirect.scatter.add.f32 [tilespmem:s21], [sflag:$0x3], $0x40, s23, s18, $0xb8;
	[tilespmem:$0x18200] =	vst v63  }
0x37: {  	_ =	swait.ge [sflag:s16], $0x2000  }
0x38: {  	s26 =	simm.s32 $0xFFFFECC0;
	s25 =	sadd.s32 $0xFFFFEC80, s8;
	[sflag:s16] =	ssyncset.done $0x0  }
.LBB2_2:
0x39: {  	s28 =	sadd.s32 $0x13E0, s25  }
0x3a: {  	[sflag:s16] =	ssyncadd.s32 $0xFFFFE000;
	s29 =	smov.u32 s26;
	s30 =	sadd.s32 $0x40, s26  }
0x3b: {  	[tilespmem:s20], [sflag:$0x3] =	stream.linear.gather [hbm4b:s28+s4], $0x100, $0x38;
	[tilespmem:$0x18200] =	vst v63  }
0x3c: {  	p0 =	sne.s32 s26, $0xFFFFFFC0;
	_ =	swait.ge [sflag:s16], $0x100  }
0x3d: {  	[sflag:s16] =	ssyncset.done $0x0  }
0x3e: {  	[sflag:s16] =	ssyncadd.s32 $0xFFFFFF00  }
0x3f: {  	[tilespmem:s21], [sflag:$0x2] =	stream.indirect.gather [spmem:s2], $0x40, s20, s18, $0xb8;
	[tilespmem:$0x18200] =	vst v63  }
0x40: {  	_ =	swait.ge [sflag:s13], $0x2000  }
0x41: {  	[sflag:s13] =	ssyncset.done $0x0  }
0x42: {  	[sflag:s13] =	ssyncadd.s32 $0xFFFFE000  }
0x43: {  	[spmem:s3] =	stream.indirect.scatter.add.f32 [tilespmem:s19], [sflag:$0x3], $0x40, s18, s18, $0xb8;
	[tilespmem:$0x18200] =	vst v63  }
0x44: {  	_ =	swait.ge [sflag:s16], $0x2000  }
0x45: {  	[sflag:s16] =	ssyncset.done $0x0  }
0x46: {  	s25 =	sadd.s32 $0x1400, s25;
	[sflag:s16] =	ssyncadd.s32 $0xFFFFE000  }
0x47: {  	[tilespmem:s4], [sflag:$0x3] =	stream.linear.gather [hbm4b:s25+s4], $0x100, $0x38;
	[tilespmem:$0x18200] =	vst v63  }
0x48: {  	_ =	swait.ge [sflag:s16], $0x100  }
0x49: {  	[sflag:s16] =	ssyncset.done $0x0  }
0x4a: {  	[sflag:s16] =	ssyncadd.s32 $0xFFFFFF00  }
0x4b: {  	[tilespmem:s19], [sflag:$0x1] =	stream.indirect.gather [spmem:s2], $0x40, s4, s18, $0xb8;
	[tilespmem:$0x18200] =	vst v63  }
0x4c: {  	_ =	swait.ge [sflag:s22], $0x2000  }
.Ltmp0:
0x4d: {  	[sflag:s22] =	ssyncset.done $0x0;
	(pc) =	sbr.rel @p0 .LBB2_2-.Ltmp0, $4  }
0x4e: {  	[sflag:s22] =	ssyncadd.s32 $0xFFFFE000  }
0x4f: {  	[spmem:s3] =	stream.indirect.scatter.add.f32 [tilespmem:s21], [sflag:$0x3], $0x40, s23, s18, $0xb8;
	[tilespmem:$0x18200] =	vst v63  }
0x50: {  	_ =	swait.ge [sflag:s16], $0x2000  }
0x51: {  	s26 =	smov.u32 s30;
	s25 =	sadd.s32 s29, s8;
	[sflag:s16] =	ssyncset.done $0x0  }
0x52: {  	s26 =	sadd.s32 $0x13E0, s25;
	[sflag:s16] =	ssyncadd.s32 $0xFFFFE000  }
0x53: {  	[tilespmem:s20], [sflag:$0x3] =	stream.linear.gather [hbm4b:s26+s4], $0x100, $0x38;
	[tilespmem:$0x18200] =	vst v63  }
0x54: {  	_ =	swait.ge [sflag:s16], $0x100  }
0x55: {  	[sflag:s16] =	ssyncset.done $0x0  }
0x56: {  	[sflag:s16] =	ssyncadd.s32 $0xFFFFFF00  }
0x57: {  	[tilespmem:s21], [sflag:$0x2] =	stream.indirect.gather [spmem:s2], $0x40, s20, s18, $0xb8;
	[tilespmem:$0x18200] =	vst v63  }
0x58: {  	_ =	swait.ge [sflag:s13], $0x2000  }
0x59: {  	[sflag:s13] =	ssyncset.done $0x0  }
0x5a: {  	[sflag:s13] =	ssyncadd.s32 $0xFFFFE000  }
0x5b: {  	[spmem:s3] =	stream.indirect.scatter.add.f32 [tilespmem:s19], [sflag:$0x3], $0x40, s18, s18, $0xb8;
	[tilespmem:$0x18200] =	vst v63  }
0x5c: {  	_ =	swait.ge [sflag:s16], $0x2000  }
0x5d: {  	[sflag:s16] =	ssyncset.done $0x0  }
0x5e: {  	s31 =	sadd.s32 $0x1400, s25;
	[sflag:s16] =	ssyncadd.s32 $0xFFFFE000  }
0x5f: {  	[tilespmem:s4], [sflag:$0x3] =	stream.linear.gather [hbm4b:s31+s4], $0x100, $0x38;
	[tilespmem:$0x18200] =	vst v63  }
0x60: {  	_ =	swait.ge [sflag:s16], $0x100  }
0x61: {  	[sflag:s16] =	ssyncset.done $0x0  }
0x62: {  	[sflag:s16] =	ssyncadd.s32 $0xFFFFFF00  }
0x63: {  	[tilespmem:s19], [sflag:$0x1] =	stream.indirect.gather [spmem:s2], $0x40, s4, s18, $0xb8;
	[tilespmem:$0x18200] =	vst v63  }
0x64: {  	_ =	swait.ge [sflag:s22], $0x2000  }
0x65: {  	[sflag:s22] =	ssyncset.done $0x0  }
0x66: {  	[sflag:s22] =	ssyncadd.s32 $0xFFFFE000  }
0x67: {  	[spmem:s3] =	stream.indirect.scatter.add.f32 [tilespmem:s21], [sflag:$0x3], $0x40, s23, s18, $0xb8;
	[tilespmem:$0x18200] =	vst v63  }
0x68: {  	_ =	swait.ge [sflag:s16], $0x2000  }
0x69: {  	[sflag:s16] =	ssyncset.done $0x0  }
0x6a: {  	[sflag:s16] =	ssyncadd.s32 $0xFFFFE000  }
0x6b: {  	[tilespmem:s20], [sflag:$0x3] =	stream.linear.gather [hbm4b:s11+s4], $0x100, $0x38;
	[tilespmem:$0x18200] =	vst v63  }
0x6c: {  	_ =	swait.ge [sflag:s16], $0x100  }
0x6d: {  	[sflag:s16] =	ssyncset.done $0x0  }
0x6e: {  	[sflag:s16] =	ssyncadd.s32 $0xFFFFFF00  }
0x6f: {  	[tilespmem:s21], [sflag:$0x2] =	stream.indirect.gather [spmem:s2], $0x40, s20, s18, $0xb8;
	[tilespmem:$0x18200] =	vst v63  }
0x70: {  	_ =	swait.ge [sflag:s13], $0x2000  }
0x71: {  	[sflag:s13] =	ssyncset.done $0x0  }
0x72: {  	[sflag:s13] =	ssyncadd.s32 $0xFFFFE000  }
0x73: {  	[spmem:s3] =	stream.indirect.scatter.add.f32 [tilespmem:s19], [sflag:$0x3], $0x40, s18, s18, $0xb8;
	[tilespmem:$0x18200] =	vst v63  }
0x74: {  	_ =	swait.ge [sflag:s16], $0x2000  }
0x75: {  	[sflag:s16] =	ssyncset.done $0x0  }
0x76: {  	[sflag:s16] =	ssyncadd.s32 $0xFFFFE000  }
0x77: {  	_ =	swait.ge [sflag:s22], $0x2000  }
0x78: {  	[sflag:s22] =	ssyncset.done $0x0  }
0x79: {  	[sflag:s22] =	ssyncadd.s32 $0xFFFFE000  }
0x7a: {  	[spmem:s3] =	stream.indirect.scatter.add.f32 [tilespmem:s21], [sflag:$0x3], $0x40, s23, s18, $0xb8;
	[tilespmem:$0x18200] =	vst v63  }
0x7b: {  	_ =	swait.ge [sflag:s16], $0x2000  }
0x7c: {  	s24 =	sadd.s32 $0x1, s24;
	[sflag:s16] =	ssyncset.done $0x0  }
0x7d: {  	p0 =	sne.s32 s24, s10;
	[sflag:s16] =	ssyncadd.s32 $0xFFFFE000  }
.Ltmp1:
0x7e: {  	[bflag:$0x0] =	sbarrier.arrive $0xFFFF;
	(pc) =	sbr.rel @p0 .LBB2_1-.Ltmp1, $4  }
0x7f: {  	[hbm:s9@s15], [sflag:s6] =	dma.strided [spmem:s17@s14], $0x1400, s13, $0x8   }
0x80: {  	_ =	swait.ge [sflag:s16], $0x1400  }
0x81: {  	[sflag:s16] =	ssyncset.done $0x0  }
0x82: {  	[sflag:s16] =	ssyncadd.s32 $0xFFFFEC00  }
0x83: {  	_ =	sfence.sel $0x180000  }
0x84: {  	[bflag:$0x0] =	sbarrier.arrive $0xFFFF  }
0x85: {  	p0 =	sne.s32 s1, $0x0;
	_ =	strace $0x9000004A  }
0x86: {  	s0 =	sadd.s32 @!p0 $0x100000, s0;
	[bflag:$0x2] =	sbarrier.arrive $0xFFFF  }
0x87: {  	[sflag:s0] =	ssyncadd.tile.s32 @!p0 $0x1;
	_ =	shalt  }
.Lfunc_end2:
_tile_overlayer_lowered:
.L_overlay_start_2:
0x88: {  	(tag) =	ssettag $0x2  }
0x89: {  	s0 =	rddreg [dreg:$0x0];
	s2 =	stileid.u32  }
0x8a: {  	s1 =	rddreg [dreg:$0x1];
	p0 =	sne.s32 s2, $0x0  }
0x8b: {  	s3 =	rddreg [dreg:$0x2];
	[bflag:$0x3] =	sbarrier.arrive $0xFFFF;
	s2 =	simm.s32 @!p0 $0x1C03  }
0x8c: {  	[timem:s3], [sflag:s2] =	dma.local @!p0 [hbm:s0], s1  }
0x8d: {  	s0 =	simm.s32 @!p0 $0x3  }
0x8e: {  	_ =	swait.ge @!p0 [sflag:s0], s1  }
0x8f: {  	s1 =	ssub.s32 @!p0 $0x0, s1;
	[sflag:s0] =	ssyncset.done @!p0 $0x0  }
0x90: {  	[sflag:s0] =	ssyncadd.s32 @!p0 s1  }
0x91: {  	[bflag:$0x3] =	sbarrier.arrive $0xFFFF  }
0x92: {  	_ =	shalt  }

</sc_bundles>
